<compile_context>
chip_gen: v7x
topology: tpu7x:2x2x1
jax: 0.10.2.dev20260603
libtpu: 0.0.44.dev20260713+nightly
codegen_flags: <defaults>
</compile_context>

<pallas_src>
import functools

import jax
import jax.numpy as jnp
from jax import lax
from jax.experimental import pallas as pl
from jax.experimental.pallas import tpu as pltpu
from jax.experimental.pallas import tpu_sc as plsc

N = 10000
E = 160000
D_IN = 256
D_HID = 256
D_OUT2 = 64
N_GRAPHS = 128

NC = 2
NS = 16
CHUNK = 128
E_PAD = 163840
DUMMY = N
ACC_ROWS = 10240
ROWS_PER_TILE = ACC_ROWS // NS
LAST_TILE = N // ROWS_PER_TILE
LAST_ROWS = N - LAST_TILE * ROWS_PER_TILE
DEG_W = 8

TILE_M = 2000
GRID_M = N // TILE_M

_f32 = jnp.float32
_i32 = jnp.int32


def _deg_body(col2_hbm, ones_hbm, zeros_hbm, out_hbm,
              coli_v, ones_v, zv, acc, sem):
    c = lax.axis_index("c")
    s = lax.axis_index("s")
    pltpu.sync_copy(zeros_hbm, zv)
    for z in range(ROWS_PER_TILE // CHUNK):
        pltpu.sync_copy(zv, acc.at[pl.ds(s * ROWS_PER_TILE + z * CHUNK, CHUNK)])
    pltpu.sync_copy(ones_hbm, ones_v)

    n_chunks = E_PAD // (NC * NS * CHUNK)
    cb = (c * NS + s) * n_chunks
    pltpu.sync_copy(col2_hbm.at[pl.ds(cb, n_chunks)], coli_v)
    plsc.subcore_barrier()

    @pl.loop(0, n_chunks)
    def _(g):
        pltpu.sync_copy(ones_v, acc.at[coli_v.at[g]], add=True)

    plsc.subcore_barrier()
    pltpu.sync_copy(acc.at[pl.ds(s * ROWS_PER_TILE, ROWS_PER_TILE)],
                    out_hbm.at[c, pl.ds(s * ROWS_PER_TILE, ROWS_PER_TILE)])


_deg_pass = functools.partial(
    pl.kernel,
    out_type=jax.ShapeDtypeStruct((NC, ACC_ROWS, DEG_W), _f32),
    mesh=plsc.VectorSubcoreMesh(core_axis_name="c", subcore_axis_name="s"),
    compiler_params=pltpu.CompilerParams(use_tc_tiling_on_sc=False),
    scratch_types=[
        pltpu.VMEM((E_PAD // (NC * NS * CHUNK), CHUNK), _i32),
        pltpu.VMEM((CHUNK, DEG_W), _f32),
        pltpu.VMEM((CHUNK, DEG_W), _f32),
        pltpu.VMEM_SHARED((ACC_ROWS, DEG_W), _f32),
        pltpu.SemaphoreType.DMA,
    ],
)(_deg_body)


NBUF = 2
GCH = 40


def _edge_agg_body(feature_split, ha_hbm, hb_hbm, row2_hbm, col2_hbm,
                   zeros_hbm, out_hbm, rowi_v, coli_v, acc,
                   bufs, sems):
    c = lax.axis_index("c")
    s = lax.axis_index("s")
    for z in range(ROWS_PER_TILE // CHUNK):
        pltpu.sync_copy(zeros_hbm,
                        acc.at[pl.ds(s * ROWS_PER_TILE + z * CHUNK, CHUNK)])

    if feature_split:
        n_chunks = E_PAD // (NS * CHUNK)
        cb = s * n_chunks
    else:
        n_chunks = E_PAD // (NC * NS * CHUNK)
        cb = (c * NS + s) * n_chunks

    plsc.subcore_barrier()

    def edge_loop(h_hbm):
        @pl.loop(0, n_chunks // GCH)
        def _(j):
            gb = cb + j * GCH
            pltpu.sync_copy(row2_hbm.at[pl.ds(gb, GCH)], rowi_v)
            pltpu.sync_copy(col2_hbm.at[pl.ds(gb, GCH)], coli_v)
            for i in range(NBUF):
                pltpu.async_copy(h_hbm.at[rowi_v.at[i]], bufs[i], sems[i])

            @pl.loop(0, GCH, step=NBUF)
            def _(g):
                for i in range(NBUF):
                    pltpu.make_async_copy(h_hbm.at[rowi_v.at[g + i]],
                                          bufs[i], sems[i]).wait()
                    pltpu.sync_copy(bufs[i], acc.at[coli_v.at[g + i]],
                                    add=True)

                    @pl.when(g + NBUF + i < GCH)
                    def _():
                        pltpu.async_copy(h_hbm.at[rowi_v.at[g + NBUF + i]],
                                         bufs[i], sems[i])

    if feature_split:
        @pl.when(c == 0)
        def _():
            edge_loop(ha_hbm)

        @pl.when(c == 1)
        def _():
            edge_loop(hb_hbm)
    else:
        edge_loop(ha_hbm)

    plsc.subcore_barrier()

    @pl.when(s < LAST_TILE)
    def _():
        pltpu.sync_copy(acc.at[pl.ds(s * ROWS_PER_TILE, ROWS_PER_TILE)],
                        out_hbm.at[c, pl.ds(s * ROWS_PER_TILE, ROWS_PER_TILE)])

    @pl.when(s == LAST_TILE)
    def _():
        pltpu.sync_copy(acc.at[pl.ds(LAST_TILE * ROWS_PER_TILE, LAST_ROWS)],
                        out_hbm.at[c, pl.ds(LAST_TILE * ROWS_PER_TILE, LAST_ROWS)])


def _make_edge_agg(feature_split, D, dtype=_f32):
    def body(*refs):
        args, rest = refs[:9], refs[9:]
        _edge_agg_body(feature_split, *args, list(rest[:NBUF]),
                       list(rest[NBUF:]))

    return functools.partial(
        pl.kernel,
        out_type=jax.ShapeDtypeStruct((NC, N, D), dtype),
        mesh=plsc.VectorSubcoreMesh(core_axis_name="c", subcore_axis_name="s"),
        compiler_params=pltpu.CompilerParams(use_tc_tiling_on_sc=False),
        scratch_types=(
            [
                pltpu.VMEM((GCH, CHUNK), _i32),
                pltpu.VMEM((GCH, CHUNK), _i32),
                pltpu.VMEM_SHARED((ACC_ROWS, D), dtype),
            ]
            + [pltpu.VMEM((CHUNK, D), dtype) for _ in range(NBUF)]
            + [pltpu.SemaphoreType.DMA for _ in range(NBUF)]
        ),
    )(body)


_bf16 = jnp.bfloat16
_agg1_pass = _make_edge_agg(False, D_HID, _bf16)
_agg2_pass = _make_edge_agg(False, D_OUT2, _bf16)


def _dis_from(dega_ref, degb_ref):
    deg = dega_ref[...] + degb_ref[...]
    return jnp.where(deg > 0.0, lax.rsqrt(deg), 0.0)


def _mmv_body(x_ref, v_ref, xv_ref):
    xv_ref[...] = jnp.dot(x_ref[...], v_ref[...], preferred_element_type=_f32)


_mmv = pl.pallas_call(
    _mmv_body,
    grid=(GRID_M,),
    in_specs=[
        pl.BlockSpec((TILE_M, D_IN), lambda i: (i, 0)),
        pl.BlockSpec((D_IN, D_HID), lambda i: (0, 0)),
    ],
    out_specs=pl.BlockSpec((TILE_M, D_HID), lambda i: (i, 0)),
    out_shape=jax.ShapeDtypeStruct((N, D_HID), _f32),
)


def _mm1_body(x_ref, w_ref, dega_ref, degb_ref, h_ref):
    dis = _dis_from(dega_ref, degb_ref)
    h = jnp.dot(x_ref[...], w_ref[...], preferred_element_type=_f32) * dis
    h_ref[...] = h.astype(_bf16)


_mm1 = pl.pallas_call(
    _mm1_body,
    grid=(GRID_M,),
    in_specs=[
        pl.BlockSpec((TILE_M, D_IN), lambda i: (i, 0)),
        pl.BlockSpec((D_IN, D_HID), lambda i: (0, 0)),
        pl.BlockSpec((TILE_M, 1), lambda i: (i, 0)),
        pl.BlockSpec((TILE_M, 1), lambda i: (i, 0)),
    ],
    out_specs=pl.BlockSpec((TILE_M, D_HID), lambda i: (i, 0)),
    out_shape=jax.ShapeDtypeStruct((N, D_HID), _bf16),
)


def _mm2_body(a_ref, b_ref, xv_ref, dega_ref, degb_ref, b1_ref,
              w2_ref, v2_ref, h2_ref, xv2_ref):
    dis = _dis_from(dega_ref, degb_ref)
    agg = a_ref[...].astype(_f32) + b_ref[...].astype(_f32)
    out1 = jnp.maximum(agg * dis + xv_ref[...] + b1_ref[...], 0.0)
    h2_ref[...] = (jnp.dot(out1, w2_ref[...],
                           preferred_element_type=_f32) * dis).astype(_bf16)
    xv2_ref[...] = jnp.dot(out1, v2_ref[...], preferred_element_type=_f32)


_mm2 = pl.pallas_call(
    _mm2_body,
    grid=(GRID_M,),
    in_specs=[
        pl.BlockSpec((TILE_M, D_HID), lambda i: (i, 0)),
        pl.BlockSpec((TILE_M, D_HID), lambda i: (i, 0)),
        pl.BlockSpec((TILE_M, D_HID), lambda i: (i, 0)),
        pl.BlockSpec((TILE_M, 1), lambda i: (i, 0)),
        pl.BlockSpec((TILE_M, 1), lambda i: (i, 0)),
        pl.BlockSpec((1, D_HID), lambda i: (0, 0)),
        pl.BlockSpec((D_HID, D_OUT2), lambda i: (0, 0)),
        pl.BlockSpec((D_HID, D_OUT2), lambda i: (0, 0)),
    ],
    out_specs=[
        pl.BlockSpec((TILE_M, D_OUT2), lambda i: (i, 0)),
        pl.BlockSpec((TILE_M, D_OUT2), lambda i: (i, 0)),
    ],
    out_shape=[
        jax.ShapeDtypeStruct((N, D_OUT2), _bf16),
        jax.ShapeDtypeStruct((N, D_OUT2), _f32),
    ],
)


def _final_body(a_ref, b_ref, xv2_ref, dega_ref, degb_ref, b2_ref,
                batch_ref, fcw_ref, fcb_ref, out_ref, pool_acc, cnt_acc):
    i = pl.program_id(0)

    @pl.when(i == 0)
    def _():
        pool_acc[...] = jnp.zeros_like(pool_acc)
        cnt_acc[...] = jnp.zeros_like(cnt_acc)

    dis = _dis_from(dega_ref, degb_ref)
    agg = a_ref[...].astype(_f32) + b_ref[...].astype(_f32)
    out2 = jnp.maximum(agg * dis + xv2_ref[...] + b2_ref[...], 0.0)
    bid = batch_ref[0]
    gid = lax.broadcasted_iota(_i32, (N_GRAPHS, TILE_M), 0)
    oh = (gid == bid).astype(_f32)
    pool_acc[...] += jnp.dot(oh, out2, preferred_element_type=_f32)
    cnt_acc[...] += jnp.sum(oh, axis=1, keepdims=True)

    @pl.when(i == GRID_M - 1)
    def _():
        pooled = pool_acc[...] / jnp.maximum(cnt_acc[...], 1.0)
        out_ref[...] = (jnp.dot(pooled, fcw_ref[...],
                                preferred_element_type=_f32) + fcb_ref[...])


_final = pl.pallas_call(
    _final_body,
    grid=(GRID_M,),
    in_specs=[
        pl.BlockSpec((TILE_M, D_OUT2), lambda i: (i, 0)),
        pl.BlockSpec((TILE_M, D_OUT2), lambda i: (i, 0)),
        pl.BlockSpec((TILE_M, D_OUT2), lambda i: (i, 0)),
        pl.BlockSpec((TILE_M, 1), lambda i: (i, 0)),
        pl.BlockSpec((TILE_M, 1), lambda i: (i, 0)),
        pl.BlockSpec((1, D_OUT2), lambda i: (0, 0)),
        pl.BlockSpec((1, 1, TILE_M), lambda i: (i, 0, 0)),
        pl.BlockSpec((D_OUT2, N_GRAPHS), lambda i: (0, 0)),
        pl.BlockSpec((1, N_GRAPHS), lambda i: (0, 0)),
    ],
    out_specs=pl.BlockSpec((N_GRAPHS, N_GRAPHS), lambda i: (0, 0)),
    out_shape=jax.ShapeDtypeStruct((N_GRAPHS, N_GRAPHS), _f32),
    scratch_shapes=[
        pltpu.VMEM((N_GRAPHS, D_OUT2), _f32),
        pltpu.VMEM((N_GRAPHS, 1), _f32),
    ],
)


@jax.jit
def kernel(x, edge_index, batch, W1, V1, b1, W2, V2, b2, fc_w, fc_b):
    row = edge_index[0].astype(_i32)
    col = edge_index[1].astype(_i32)
    rowp = jnp.concatenate([row, jnp.zeros((E_PAD - E,), _i32)])
    colp = jnp.concatenate([col, jnp.full((E_PAD - E,), DUMMY, _i32)])
    rowp = rowp.reshape(E_PAD // CHUNK, CHUNK)
    colp = colp.reshape(E_PAD // CHUNK, CHUNK)

    ones8 = jnp.ones((CHUNK, DEG_W), _f32)
    zeros8 = jnp.zeros((CHUNK, DEG_W), _f32)
    zeros256b = jnp.zeros((CHUNK, D_HID), _bf16)
    zeros64 = jnp.zeros((CHUNK, D_OUT2), _bf16)

    deg2 = _deg_pass(colp, ones8, zeros8)
    dega = deg2[0, :N, 0:1]
    degb = deg2[1, :N, 0:1]

    xv1 = _mmv(x, V1)
    h1 = _mm1(x, W1, dega, degb)
    agg1 = _agg1_pass(h1, h1, rowp, colp, zeros256b)
    h2, xv2 = _mm2(agg1[0], agg1[1], xv1, dega, degb,
                   b1.reshape(1, -1), W2, V2)
    agg2 = _agg2_pass(h2, h2, rowp, colp, zeros64)

    batch3d = batch.astype(_i32).reshape(GRID_M, 1, TILE_M)
    fcw_pad = jnp.zeros((D_OUT2, N_GRAPHS), _f32).at[:, :fc_w.shape[1]].set(fc_w)
    fcb_pad = jnp.zeros((1, N_GRAPHS), _f32).at[0, :fc_b.shape[0]].set(fc_b)
    out_pad = _final(agg2[0], agg2[1], xv2, dega, degb, b2.reshape(1, -1),
                     batch3d, fcw_pad, fcb_pad)
    return out_pad[:, :fc_b.shape[0]]

# --- scband reference (transcript-rebuilt; emitter-appended) ---
"""Pipeline reference for scband-armanet-8564164788981 (READ-ONLY COPY).

The authoritative reference and input builder live on the scoring server;
editing this copy changes nothing except your own understanding.
"""

import jax, jax.numpy as jnp
import numpy as np

N_NODES = 10000
N_EDGES = 160000
D_IN = 256
D_HID = 256
D_OUT2 = 64
N_CLASSES = 10
N_GRAPHS = 128


def setup_inputs(seed: int = 0) -> dict:
    key = jax.random.key(seed)
    ks = jax.random.split(key, 12)
    x = jax.random.normal(ks[0], (N_NODES, D_IN), dtype=jnp.float32)
    edge_index = jax.random.randint(ks[1], (2, N_EDGES), 0, N_NODES, dtype=jnp.int64)
    batch = jnp.sort(jax.random.randint(ks[2], (N_NODES,), 0, N_GRAPHS, dtype=jnp.int64))
    # ARMAConv1 (num_stacks=1, num_layers=1): init_weight W1, root_weight V1, bias b1
    W1 = jax.random.normal(ks[3], (D_IN, D_HID), dtype=jnp.float32) * (1.0 / np.sqrt(D_IN))
    V1 = jax.random.normal(ks[4], (D_IN, D_HID), dtype=jnp.float32) * (1.0 / np.sqrt(D_IN))
    b1 = jnp.zeros((D_HID,), dtype=jnp.float32)
    # ARMAConv2
    W2 = jax.random.normal(ks[5], (D_HID, D_OUT2), dtype=jnp.float32) * (1.0 / np.sqrt(D_HID))
    V2 = jax.random.normal(ks[6], (D_HID, D_OUT2), dtype=jnp.float32) * (1.0 / np.sqrt(D_HID))
    b2 = jnp.zeros((D_OUT2,), dtype=jnp.float32)
    # fc1
    fc_w = jax.random.normal(ks[7], (D_OUT2, N_CLASSES), dtype=jnp.float32) * (1.0 / np.sqrt(D_OUT2))
    fc_b = jnp.zeros((N_CLASSES,), dtype=jnp.float32)
    return {"x": x, "edge_index": edge_index, "batch": batch,
            "W1": W1, "V1": V1, "b1": b1,
            "W2": W2, "V2": V2, "b2": b2,
            "fc_w": fc_w, "fc_b": fc_b}


def _gcn_norm(edge_index, num_nodes):
    # ARMAConv uses gcn_norm with add_self_loops=False
    row, col = edge_index[0], edge_index[1]
    ew = jnp.ones((row.shape[0],), dtype=jnp.float32)
    deg = jnp.zeros((num_nodes,), dtype=jnp.float32).at[col].add(ew)
    dis = jnp.where(deg > 0, 1.0 / jnp.sqrt(deg), 0.0)
    return dis[row] * ew * dis[col]


def _arma_conv(x, edge_index, norm, W, V, b):
    # single stack (K=1), single layer (T=1):
    # out = ReLU( propagate(L_hat, x @ W) + x @ V + b )
    h = x @ W
    row, col = edge_index[0], edge_index[1]
    msg = h[row] * norm[:, None]          # gather + scale
    agg = jnp.zeros_like(h).at[col].add(msg)  # scatter-add to targets
    return jax.nn.relu(agg + x @ V + b)


def reference(x, edge_index, batch, W1, V1, b1, W2, V2, b2, fc_w, fc_b):
    norm = _gcn_norm(edge_index, N_NODES)
    h = jax.nn.relu(_arma_conv(x, edge_index, norm, W1, V1, b1))
    h = jax.nn.relu(_arma_conv(h, edge_index, norm, W2, V2, b2))
    # global_mean_pool over batch ids
    s = jax.ops.segment_sum(h, batch, num_segments=N_GRAPHS)
    cnt = jax.ops.segment_sum(jnp.ones((h.shape[0],), dtype=jnp.float32), batch, num_segments=N_GRAPHS)
    pooled = s / jnp.maximum(cnt, 1.0)[:, None]
    # F.dropout with training=False is identity (eval mode)
    return pooled @ fc_w + fc_b

if __name__ == "__main__":
    import jax
    _d = setup_inputs()
    print(jax.jit(kernel)(*tuple(_d.values())))

</pallas_src>

<mosaic_0001>
#map = affine_map<(d0, d1) -> (0, 0)>
#map1 = affine_map<(d0, d1) -> (0, 0, 0)>
module attributes {stable_mosaic.version = 14 : i64} {
  func.func @body(%arg0: i32, %arg1: i32, %arg2: memref<10000x256xbf16, #tpu.memory_space<hbm>>, %arg3: memref<10000x256xbf16, #tpu.memory_space<hbm>>, %arg4: memref<1280x128xi32, #tpu.memory_space<hbm>>, %arg5: memref<1280x128xi32, #tpu.memory_space<hbm>>, %arg6: memref<128x256xbf16, #tpu.memory_space<hbm>>, %arg7: memref<2x10000x256xbf16, #tpu.memory_space<hbm>>, %arg8: memref<40x128xi32, #tpu.memory_space<vmem>>, %arg9: memref<40x128xi32, #tpu.memory_space<vmem>>, %arg10: memref<10240x256xbf16, #tpu.memory_space<vmem_shared>>, %arg11: memref<128x256xbf16, #tpu.memory_space<vmem>>, %arg12: memref<128x256xbf16, #tpu.memory_space<vmem>>, %arg13: memref<!tpu.dma_semaphore, #tpu.memory_space<semaphore_mem>>, %arg14: memref<!tpu.dma_semaphore, #tpu.memory_space<semaphore_mem>>) attributes {dimension_semantics = [#tpu.dimension_semantics<core_parallel>, #tpu.dimension_semantics<subcore_parallel>], iteration_bounds = array<i64: 2, 16>, scalar_prefetch = 0 : i64, scratch_operands = 7 : i64, tpu.core_type = #tpu.core_type<sc_vector_subcore>, window_params = [{transform_indices = #map}, {transform_indices = #map}, {transform_indices = #map}, {transform_indices = #map}, {transform_indices = #map}, {transform_indices = #map1}]} {
    %mul3A = arith.constant 640 : i32
    %mul3A_0 = arith.muli %arg1, %mul3A : i32
    %add3A = arith.constant 0 : i32
    %add3A_1 = arith.addi %mul3A_0, %add3A : i32
    "tpu.region"() ({
      %run_scoped3A = tpu.sem_alloc : memref<!tpu.dma_semaphore, #tpu.memory_space<semaphore_mem>>
      %dma_start3A_56 = arith.constant 0 : i32
      %dma_start3A_57 = tpu.memref_slice %arg10[%add3A_1, %dma_start3A_56] : memref<10240x256xbf16, #tpu.memory_space<vmem_shared>> -> memref<128x256xbf16, #tpu.memory_space<vmem_shared>>
      tpu.enqueue_dma source(%arg6 : memref<128x256xbf16, #tpu.memory_space<hbm>>) target(%dma_start3A_57 : memref<128x256xbf16, #tpu.memory_space<vmem_shared>>) target_semaphore(%run_scoped3A : memref<!tpu.dma_semaphore, #tpu.memory_space<semaphore_mem>>)
      %dma_wait3A = arith.constant 0 : i32
      %dma_wait3A_58 = tpu.memref_slice %arg10[%add3A_1, %dma_wait3A] : memref<10240x256xbf16, #tpu.memory_space<vmem_shared>> -> memref<128x256xbf16, #tpu.memory_space<vmem_shared>>
      tpu.wait_dma2 semaphore(%run_scoped3A : memref<!tpu.dma_semaphore, #tpu.memory_space<semaphore_mem>>) src(%arg6 : memref<128x256xbf16, #tpu.memory_space<hbm>>) dst(%dma_wait3A_58 : memref<128x256xbf16, #tpu.memory_space<vmem_shared>>)
      tpu.yield
    }) : () -> ()
    %mul3A_2 = arith.constant 640 : i32
    %mul3A_3 = arith.muli %arg1, %mul3A_2 : i32
    %add3A_4 = arith.constant 128 : i32
    %add3A_5 = arith.addi %mul3A_3, %add3A_4 : i32
    "tpu.region"() ({
      %run_scoped3A = tpu.sem_alloc : memref<!tpu.dma_semaphore, #tpu.memory_space<semaphore_mem>>
      %dma_start3A_56 = arith.constant 0 : i32
      %dma_start3A_57 = tpu.memref_slice %arg10[%add3A_5, %dma_start3A_56] : memref<10240x256xbf16, #tpu.memory_space<vmem_shared>> -> memref<128x256xbf16, #tpu.memory_space<vmem_shared>>
      tpu.enqueue_dma source(%arg6 : memref<128x256xbf16, #tpu.memory_space<hbm>>) target(%dma_start3A_57 : memref<128x256xbf16, #tpu.memory_space<vmem_shared>>) target_semaphore(%run_scoped3A : memref<!tpu.dma_semaphore, #tpu.memory_space<semaphore_mem>>)
      %dma_wait3A = arith.constant 0 : i32
      %dma_wait3A_58 = tpu.memref_slice %arg10[%add3A_5, %dma_wait3A] : memref<10240x256xbf16, #tpu.memory_space<vmem_shared>> -> memref<128x256xbf16, #tpu.memory_space<vmem_shared>>
      tpu.wait_dma2 semaphore(%run_scoped3A : memref<!tpu.dma_semaphore, #tpu.memory_space<semaphore_mem>>) src(%arg6 : memref<128x256xbf16, #tpu.memory_space<hbm>>) dst(%dma_wait3A_58 : memref<128x256xbf16, #tpu.memory_space<vmem_shared>>)
      tpu.yield
    }) : () -> ()
    %mul3A_6 = arith.constant 640 : i32
    %mul3A_7 = arith.muli %arg1, %mul3A_6 : i32
    %add3A_8 = arith.constant 256 : i32
    %add3A_9 = arith.addi %mul3A_7, %add3A_8 : i32
    "tpu.region"() ({
      %run_scoped3A = tpu.sem_alloc : memref<!tpu.dma_semaphore, #tpu.memory_space<semaphore_mem>>
      %dma_start3A_56 = arith.constant 0 : i32
      %dma_start3A_57 = tpu.memref_slice %arg10[%add3A_9, %dma_start3A_56] : memref<10240x256xbf16, #tpu.memory_space<vmem_shared>> -> memref<128x256xbf16, #tpu.memory_space<vmem_shared>>
      tpu.enqueue_dma source(%arg6 : memref<128x256xbf16, #tpu.memory_space<hbm>>) target(%dma_start3A_57 : memref<128x256xbf16, #tpu.memory_space<vmem_shared>>) target_semaphore(%run_scoped3A : memref<!tpu.dma_semaphore, #tpu.memory_space<semaphore_mem>>)
      %dma_wait3A = arith.constant 0 : i32
      %dma_wait3A_58 = tpu.memref_slice %arg10[%add3A_9, %dma_wait3A] : memref<10240x256xbf16, #tpu.memory_space<vmem_shared>> -> memref<128x256xbf16, #tpu.memory_space<vmem_shared>>
      tpu.wait_dma2 semaphore(%run_scoped3A : memref<!tpu.dma_semaphore, #tpu.memory_space<semaphore_mem>>) src(%arg6 : memref<128x256xbf16, #tpu.memory_space<hbm>>) dst(%dma_wait3A_58 : memref<128x256xbf16, #tpu.memory_space<vmem_shared>>)
      tpu.yield
    }) : () -> ()
    %mul3A_10 = arith.constant 640 : i32
    %mul3A_11 = arith.muli %arg1, %mul3A_10 : i32
    %add3A_12 = arith.constant 384 : i32
    %add3A_13 = arith.addi %mul3A_11, %add3A_12 : i32
    "tpu.region"() ({
      %run_scoped3A = tpu.sem_alloc : memref<!tpu.dma_semaphore, #tpu.memory_space<semaphore_mem>>
      %dma_start3A_56 = arith.constant 0 : i32
      %dma_start3A_57 = tpu.memref_slice %arg10[%add3A_13, %dma_start3A_56] : memref<10240x256xbf16, #tpu.memory_space<vmem_shared>> -> memref<128x256xbf16, #tpu.memory_space<vmem_shared>>
      tpu.enqueue_dma source(%arg6 : memref<128x256xbf16, #tpu.memory_space<hbm>>) target(%dma_start3A_57 : memref<128x256xbf16, #tpu.memory_space<vmem_shared>>) target_semaphore(%run_scoped3A : memref<!tpu.dma_semaphore, #tpu.memory_space<semaphore_mem>>)
      %dma_wait3A = arith.constant 0 : i32
      %dma_wait3A_58 = tpu.memref_slice %arg10[%add3A_13, %dma_wait3A] : memref<10240x256xbf16, #tpu.memory_space<vmem_shared>> -> memref<128x256xbf16, #tpu.memory_space<vmem_shared>>
      tpu.wait_dma2 semaphore(%run_scoped3A : memref<!tpu.dma_semaphore, #tpu.memory_space<semaphore_mem>>) src(%arg6 : memref<128x256xbf16, #tpu.memory_space<hbm>>) dst(%dma_wait3A_58 : memref<128x256xbf16, #tpu.memory_space<vmem_shared>>)
      tpu.yield
    }) : () -> ()
    %mul3A_14 = arith.constant 640 : i32
    %mul3A_15 = arith.muli %arg1, %mul3A_14 : i32
    %add3A_16 = arith.constant 512 : i32
    %add3A_17 = arith.addi %mul3A_15, %add3A_16 : i32
    "tpu.region"() ({
      %run_scoped3A = tpu.sem_alloc : memref<!tpu.dma_semaphore, #tpu.memory_space<semaphore_mem>>
      %dma_start3A_56 = arith.constant 0 : i32
      %dma_start3A_57 = tpu.memref_slice %arg10[%add3A_17, %dma_start3A_56] : memref<10240x256xbf16, #tpu.memory_space<vmem_shared>> -> memref<128x256xbf16, #tpu.memory_space<vmem_shared>>
      tpu.enqueue_dma source(%arg6 : memref<128x256xbf16, #tpu.memory_space<hbm>>) target(%dma_start3A_57 : memref<128x256xbf16, #tpu.memory_space<vmem_shared>>) target_semaphore(%run_scoped3A : memref<!tpu.dma_semaphore, #tpu.memory_space<semaphore_mem>>)
      %dma_wait3A = arith.constant 0 : i32
      %dma_wait3A_58 = tpu.memref_slice %arg10[%add3A_17, %dma_wait3A] : memref<10240x256xbf16, #tpu.memory_space<vmem_shared>> -> memref<128x256xbf16, #tpu.memory_space<vmem_shared>>
      tpu.wait_dma2 semaphore(%run_scoped3A : memref<!tpu.dma_semaphore, #tpu.memory_space<semaphore_mem>>) src(%arg6 : memref<128x256xbf16, #tpu.memory_space<hbm>>) dst(%dma_wait3A_58 : memref<128x256xbf16, #tpu.memory_space<vmem_shared>>)
      tpu.yield
    }) : () -> ()
    %mul3A_18 = arith.constant 16 : i32
    %mul3A_19 = arith.muli %arg0, %mul3A_18 : i32
    %add3A_20 = arith.addi %mul3A_19, %arg1 : i32
    %mul3A_21 = arith.constant 40 : i32
    %mul3A_22 = arith.muli %add3A_20, %mul3A_21 : i32
    %barrier3A = arith.constant 0 : index
    tpu.barrier barrier_id(%barrier3A)
    %scan3A = arith.constant 0 : i32
    %mul3A_23 = arith.constant 1 : i32
    %mul3A_24 = arith.muli %scan3A, %mul3A_23 : i32
    %add3A_25 = arith.constant 0 : i32
    %add3A_26 = arith.addi %add3A_25, %mul3A_24 : i32
    %mul3A_27 = arith.constant 40 : i32
    %mul3A_28 = arith.muli %add3A_26, %mul3A_27 : i32
    %add3A_29 = arith.addi %mul3A_22, %mul3A_28 : i32
    "tpu.region"() ({
      %run_scoped3A = tpu.sem_alloc : memref<!tpu.dma_semaphore, #tpu.memory_space<semaphore_mem>>
      %dma_start3A_56 = arith.constant 0 : i32
      %dma_start3A_57 = tpu.memref_slice %arg4[%add3A_29, %dma_start3A_56] : memref<1280x128xi32, #tpu.memory_space<hbm>> -> memref<40x128xi32, #tpu.memory_space<hbm>>
      %dma_start3A_58 = arith.constant 0 : i32
      %dma_start3A_59 = tpu.memref_slice %arg4[%add3A_29, %dma_start3A_58] : memref<1280x128xi32, #tpu.memory_space<hbm>> -> memref<40x128xi32, #tpu.memory_space<hbm>>
      tpu.enqueue_dma source(%dma_start3A_59 : memref<40x128xi32, #tpu.memory_space<hbm>>) target(%arg8 : memref<40x128xi32, #tpu.memory_space<vmem>>) target_semaphore(%run_scoped3A : memref<!tpu.dma_semaphore, #tpu.memory_space<semaphore_mem>>)
      %dma_wait3A = arith.constant 0 : i32
      %dma_wait3A_60 = tpu.memref_slice %arg4[%add3A_29, %dma_wait3A] : memref<1280x128xi32, #tpu.memory_space<hbm>> -> memref<40x128xi32, #tpu.memory_space<hbm>>
      %dma_wait3A_61 = arith.constant 0 : i32
      %dma_wait3A_62 = tpu.memref_slice %arg4[%add3A_29, %dma_wait3A_61] : memref<1280x128xi32, #tpu.memory_space<hbm>> -> memref<40x128xi32, #tpu.memory_space<hbm>>
      tpu.wait_dma2 semaphore(%run_scoped3A : memref<!tpu.dma_semaphore, #tpu.memory_space<semaphore_mem>>) src(%dma_wait3A_62 : memref<40x128xi32, #tpu.memory_space<hbm>>) dst(%arg8 : memref<40x128xi32, #tpu.memory_space<vmem>>)
      tpu.yield
    }) : () -> ()
    "tpu.region"() ({
      %run_scoped3A = tpu.sem_alloc : memref<!tpu.dma_semaphore, #tpu.memory_space<semaphore_mem>>
      %dma_start3A_56 = arith.constant 0 : i32
      %dma_start3A_57 = tpu.memref_slice %arg5[%add3A_29, %dma_start3A_56] : memref<1280x128xi32, #tpu.memory_space<hbm>> -> memref<40x128xi32, #tpu.memory_space<hbm>>
      %dma_start3A_58 = arith.constant 0 : i32
      %dma_start3A_59 = tpu.memref_slice %arg5[%add3A_29, %dma_start3A_58] : memref<1280x128xi32, #tpu.memory_space<hbm>> -> memref<40x128xi32, #tpu.memory_space<hbm>>
      tpu.enqueue_dma source(%dma_start3A_59 : memref<40x128xi32, #tpu.memory_space<hbm>>) target(%arg9 : memref<40x128xi32, #tpu.memory_space<vmem>>) target_semaphore(%run_scoped3A : memref<!tpu.dma_semaphore, #tpu.memory_space<semaphore_mem>>)
      %dma_wait3A = arith.constant 0 : i32
      %dma_wait3A_60 = tpu.memref_slice %arg5[%add3A_29, %dma_wait3A] : memref<1280x128xi32, #tpu.memory_space<hbm>> -> memref<40x128xi32, #tpu.memory_space<hbm>>
      %dma_wait3A_61 = arith.constant 0 : i32
      %dma_wait3A_62 = tpu.memref_slice %arg5[%add3A_29, %dma_wait3A_61] : memref<1280x128xi32, #tpu.memory_space<hbm>> -> memref<40x128xi32, #tpu.memory_space<hbm>>
      tpu.wait_dma2 semaphore(%run_scoped3A : memref<!tpu.dma_semaphore, #tpu.memory_space<semaphore_mem>>) src(%dma_wait3A_62 : memref<40x128xi32, #tpu.memory_space<hbm>>) dst(%arg9 : memref<40x128xi32, #tpu.memory_space<vmem>>)
      tpu.yield
    }) : () -> ()
    %dma_start3A = arith.constant 0 : i32
    %dma_start3A_30 = arith.constant 0 : i32
    %dma_start3A_31 = tpu.memref_slice %arg8[%dma_start3A, %dma_start3A_30] : memref<40x128xi32, #tpu.memory_space<vmem>> -> memref<1x128xi32, #tpu.memory_space<vmem>>
    %dma_start3A_32 = tpu.memref_squeeze %dma_start3A_31 : memref<1x128xi32, #tpu.memory_space<vmem>> -> memref<128xi32, #tpu.memory_space<vmem>>
    %dma_start3A_33 = arith.constant 0 : i32
    %dma_start3A_34 = arith.constant 0 : i32
    %dma_start3A_35 = tpu.memref_slice %arg2[%dma_start3A_33, %dma_start3A_34] : memref<10000x256xbf16, #tpu.memory_space<hbm>> -> memref<10000x256xbf16, #tpu.memory_space<hbm>>
    tpu.enqueue_indirect_dma source(%dma_start3A_35 : memref<10000x256xbf16, #tpu.memory_space<hbm>>) target(%arg11 : memref<128x256xbf16, #tpu.memory_space<vmem>>) offsets(%dma_start3A_32 : memref<128xi32, #tpu.memory_space<vmem>>) semaphore(%arg13 : memref<!tpu.dma_semaphore, #tpu.memory_space<semaphore_mem>>)
    %dma_start3A_36 = arith.constant 1 : i32
    %dma_start3A_37 = arith.constant 0 : i32
    %dma_start3A_38 = tpu.memref_slice %arg8[%dma_start3A_36, %dma_start3A_37] : memref<40x128xi32, #tpu.memory_space<vmem>> -> memref<1x128xi32, #tpu.memory_space<vmem>>
    %dma_start3A_39 = tpu.memref_squeeze %dma_start3A_38 : memref<1x128xi32, #tpu.memory_space<vmem>> -> memref<128xi32, #tpu.memory_space<vmem>>
    %dma_start3A_40 = arith.constant 0 : i32
    %dma_start3A_41 = arith.constant 0 : i32
    %dma_start3A_42 = tpu.memref_slice %arg2[%dma_start3A_40, %dma_start3A_41] : memref<10000x256xbf16, #tpu.memory_space<hbm>> -> memref<10000x256xbf16, #tpu.memory_space<hbm>>
    tpu.enqueue_indirect_dma source(%dma_start3A_42 : memref<10000x256xbf16, #tpu.memory_space<hbm>>) target(%arg12 : memref<128x256xbf16, #tpu.memory_space<vmem>>) offsets(%dma_start3A_39 : memref<128xi32, #tpu.memory_space<vmem>>) semaphore(%arg14 : memref<!tpu.dma_semaphore, #tpu.memory_space<semaphore_mem>>)
    %scan3A_43 = arith.constant 0 : i32
    %scan3A_44 = arith.constant 20 : i32
    %scan3A_45 = arith.addi %scan3A_43, %scan3A_44 : i32
    %scan3A_46 = arith.constant 1 : i32
    scf.for %scan3A_56 = %scan3A_43 to %scan3A_45 step %scan3A_46  : i32 {
      %mul3A_57 = arith.constant 2 : i32
      %mul3A_58 = arith.muli %scan3A_56, %mul3A_57 : i32
      %add3A_59 = arith.constant 0 : i32
      %add3A_60 = arith.addi %add3A_59, %mul3A_58 : i32
      %add3A_61 = arith.constant 0 : i32
      %add3A_62 = arith.addi %add3A_60, %add3A_61 : i32
      %dma_wait3A = arith.constant 0 : i32
      %dma_wait3A_63 = tpu.memref_slice %arg8[%add3A_62, %dma_wait3A] : memref<40x128xi32, #tpu.memory_space<vmem>> -> memref<1x128xi32, #tpu.memory_space<vmem>>
      %dma_wait3A_64 = tpu.memref_squeeze %dma_wait3A_63 : memref<1x128xi32, #tpu.memory_space<vmem>> -> memref<128xi32, #tpu.memory_space<vmem>>
      %dma_wait3A_65 = arith.constant 0 : i32
      %dma_wait3A_66 = arith.constant 0 : i32
      %dma_wait3A_67 = tpu.memref_slice %arg2[%dma_wait3A_65, %dma_wait3A_66] : memref<10000x256xbf16, #tpu.memory_space<hbm>> -> memref<10000x256xbf16, #tpu.memory_space<hbm>>
      tpu.wait_indirect_dma semaphore(%arg13 : memref<!tpu.dma_semaphore, #tpu.memory_space<semaphore_mem>>) src(%dma_wait3A_67 : memref<10000x256xbf16, #tpu.memory_space<hbm>>) dst(%arg11 : memref<128x256xbf16, #tpu.memory_space<vmem>>)
      %add3A_68 = arith.constant 0 : i32
      %add3A_69 = arith.addi %add3A_60, %add3A_68 : i32
      "tpu.region"() ({
        %run_scoped3A = tpu.sem_alloc : memref<!tpu.dma_semaphore, #tpu.memory_space<semaphore_mem>>
        %dma_start3A_98 = arith.constant 0 : i32
        %dma_start3A_99 = tpu.memref_slice %arg9[%add3A_69, %dma_start3A_98] : memref<40x128xi32, #tpu.memory_space<vmem>> -> memref<1x128xi32, #tpu.memory_space<vmem>>
        %dma_start3A_100 = tpu.memref_squeeze %dma_start3A_99 : memref<1x128xi32, #tpu.memory_space<vmem>> -> memref<128xi32, #tpu.memory_space<vmem>>
        %dma_start3A_101 = arith.constant 0 : i32
        %dma_start3A_102 = arith.constant 0 : i32
        %dma_start3A_103 = tpu.memref_slice %arg10[%dma_start3A_101, %dma_start3A_102] : memref<10240x256xbf16, #tpu.memory_space<vmem_shared>> -> memref<10240x256xbf16, #tpu.memory_space<vmem_shared>>
        tpu.enqueue_indirect_dma source(%arg11 : memref<128x256xbf16, #tpu.memory_space<vmem>>) target(%dma_start3A_103 : memref<10240x256xbf16, #tpu.memory_space<vmem_shared>>) offsets(%dma_start3A_100 : memref<128xi32, #tpu.memory_space<vmem>>) semaphore(%run_scoped3A : memref<!tpu.dma_semaphore, #tpu.memory_space<semaphore_mem>>) {add = true}
        %dma_wait3A_104 = arith.constant 0 : i32
        %dma_wait3A_105 = tpu.memref_slice %arg9[%add3A_69, %dma_wait3A_104] : memref<40x128xi32, #tpu.memory_space<vmem>> -> memref<1x128xi32, #tpu.memory_space<vmem>>
        %dma_wait3A_106 = tpu.memref_squeeze %dma_wait3A_105 : memref<1x128xi32, #tpu.memory_space<vmem>> -> memref<128xi32, #tpu.memory_space<vmem>>
        %dma_wait3A_107 = arith.constant 0 : i32
        %dma_wait3A_108 = arith.constant 0 : i32
        %dma_wait3A_109 = tpu.memref_slice %arg10[%dma_wait3A_107, %dma_wait3A_108] : memref<10240x256xbf16, #tpu.memory_space<vmem_shared>> -> memref<10240x256xbf16, #tpu.memory_space<vmem_shared>>
        tpu.wait_indirect_dma semaphore(%run_scoped3A : memref<!tpu.dma_semaphore, #tpu.memory_space<semaphore_mem>>) src(%arg11 : memref<128x256xbf16, #tpu.memory_space<vmem>>) dst(%dma_wait3A_109 : memref<10240x256xbf16, #tpu.memory_space<vmem_shared>>)
        tpu.yield
      }) : () -> ()
      %add3A_70 = arith.constant 2 : i32
      %add3A_71 = arith.addi %add3A_60, %add3A_70 : i32
      %add3A_72 = arith.constant 0 : i32
      %add3A_73 = arith.addi %add3A_71, %add3A_72 : i32
      %lt3A_74 = arith.constant 40 : i32
      %lt3A_75 = arith.cmpi slt, %add3A_73, %lt3A_74 : i32
      %convert_element_type3A_76 = arith.extui %lt3A_75 : i1 to i32
      %cond3A_77 = arith.constant 0 : i32
      %cond3A_78 = arith.cmpi ne, %convert_element_type3A_76, %cond3A_77 : i32
      scf.if %cond3A_78 {
        %add3A_98 = arith.constant 2 : i32
        %add3A_99 = arith.addi %add3A_60, %add3A_98 : i32
        %add3A_100 = arith.constant 0 : i32
        %add3A_101 = arith.addi %add3A_99, %add3A_100 : i32
        %dma_start3A_102 = arith.constant 0 : i32
        %dma_start3A_103 = tpu.memref_slice %arg8[%add3A_101, %dma_start3A_102] : memref<40x128xi32, #tpu.memory_space<vmem>> -> memref<1x128xi32, #tpu.memory_space<vmem>>
        %dma_start3A_104 = tpu.memref_squeeze %dma_start3A_103 : memref<1x128xi32, #tpu.memory_space<vmem>> -> memref<128xi32, #tpu.memory_space<vmem>>
        %dma_start3A_105 = arith.constant 0 : i32
        %dma_start3A_106 = arith.constant 0 : i32
        %dma_start3A_107 = tpu.memref_slice %arg2[%dma_start3A_105, %dma_start3A_106] : memref<10000x256xbf16, #tpu.memory_space<hbm>> -> memref<10000x256xbf16, #tpu.memory_space<hbm>>
        tpu.enqueue_indirect_dma source(%dma_start3A_107 : memref<10000x256xbf16, #tpu.memory_space<hbm>>) target(%arg11 : memref<128x256xbf16, #tpu.memory_space<vmem>>) offsets(%dma_start3A_104 : memref<128xi32, #tpu.memory_space<vmem>>) semaphore(%arg13 : memref<!tpu.dma_semaphore, #tpu.memory_space<semaphore_mem>>)
      } else {
      }
      %add3A_79 = arith.constant 1 : i32
      %add3A_80 = arith.addi %add3A_60, %add3A_79 : i32
      %dma_wait3A_81 = arith.constant 0 : i32
      %dma_wait3A_82 = tpu.memref_slice %arg8[%add3A_80, %dma_wait3A_81] : memref<40x128xi32, #tpu.memory_space<vmem>> -> memref<1x128xi32, #tpu.memory_space<vmem>>
      %dma_wait3A_83 = tpu.memref_squeeze %dma_wait3A_82 : memref<1x128xi32, #tpu.memory_space<vmem>> -> memref<128xi32, #tpu.memory_space<vmem>>
      %dma_wait3A_84 = arith.constant 0 : i32
      %dma_wait3A_85 = arith.constant 0 : i32
      %dma_wait3A_86 = tpu.memref_slice %arg2[%dma_wait3A_84, %dma_wait3A_85] : memref<10000x256xbf16, #tpu.memory_space<hbm>> -> memref<10000x256xbf16, #tpu.memory_space<hbm>>
      tpu.wait_indirect_dma semaphore(%arg14 : memref<!tpu.dma_semaphore, #tpu.memory_space<semaphore_mem>>) src(%dma_wait3A_86 : memref<10000x256xbf16, #tpu.memory_space<hbm>>) dst(%arg12 : memref<128x256xbf16, #tpu.memory_space<vmem>>)
      %add3A_87 = arith.constant 1 : i32
      %add3A_88 = arith.addi %add3A_60, %add3A_87 : i32
      "tpu.region"() ({
        %run_scoped3A = tpu.sem_alloc : memref<!tpu.dma_semaphore, #tpu.memory_space<semaphore_mem>>
        %dma_start3A_98 = arith.constant 0 : i32
        %dma_start3A_99 = tpu.memref_slice %arg9[%add3A_88, %dma_start3A_98] : memref<40x128xi32, #tpu.memory_space<vmem>> -> memref<1x128xi32, #tpu.memory_space<vmem>>
        %dma_start3A_100 = tpu.memref_squeeze %dma_start3A_99 : memref<1x128xi32, #tpu.memory_space<vmem>> -> memref<128xi32, #tpu.memory_space<vmem>>
        %dma_start3A_101 = arith.constant 0 : i32
        %dma_start3A_102 = arith.constant 0 : i32
        %dma_start3A_103 = tpu.memref_slice %arg10[%dma_start3A_101, %dma_start3A_102] : memref<10240x256xbf16, #tpu.memory_space<vmem_shared>> -> memref<10240x256xbf16, #tpu.memory_space<vmem_shared>>
        tpu.enqueue_indirect_dma source(%arg12 : memref<128x256xbf16, #tpu.memory_space<vmem>>) target(%dma_start3A_103 : memref<10240x256xbf16, #tpu.memory_space<vmem_shared>>) offsets(%dma_start3A_100 : memref<128xi32, #tpu.memory_space<vmem>>) semaphore(%run_scoped3A : memref<!tpu.dma_semaphore, #tpu.memory_space<semaphore_mem>>) {add = true}
        %dma_wait3A_104 = arith.constant 0 : i32
        %dma_wait3A_105 = tpu.memref_slice %arg9[%add3A_88, %dma_wait3A_104] : memref<40x128xi32, #tpu.memory_space<vmem>> -> memref<1x128xi32, #tpu.memory_space<vmem>>
        %dma_wait3A_106 = tpu.memref_squeeze %dma_wait3A_105 : memref<1x128xi32, #tpu.memory_space<vmem>> -> memref<128xi32, #tpu.memory_space<vmem>>
        %dma_wait3A_107 = arith.constant 0 : i32
        %dma_wait3A_108 = arith.constant 0 : i32
        %dma_wait3A_109 = tpu.memref_slice %arg10[%dma_wait3A_107, %dma_wait3A_108] : memref<10240x256xbf16, #tpu.memory_space<vmem_shared>> -> memref<10240x256xbf16, #tpu.memory_space<vmem_shared>>
        tpu.wait_indirect_dma semaphore(%run_scoped3A : memref<!tpu.dma_semaphore, #tpu.memory_space<semaphore_mem>>) src(%arg12 : memref<128x256xbf16, #tpu.memory_space<vmem>>) dst(%dma_wait3A_109 : memref<10240x256xbf16, #tpu.memory_space<vmem_shared>>)
        tpu.yield
      }) : () -> ()
      %add3A_89 = arith.constant 2 : i32
      %add3A_90 = arith.addi %add3A_60, %add3A_89 : i32
      %add3A_91 = arith.constant 1 : i32
      %add3A_92 = arith.addi %add3A_90, %add3A_91 : i32
      %lt3A_93 = arith.constant 40 : i32
      %lt3A_94 = arith.cmpi slt, %add3A_92, %lt3A_93 : i32
      %convert_element_type3A_95 = arith.extui %lt3A_94 : i1 to i32
      %cond3A_96 = arith.constant 0 : i32
      %cond3A_97 = arith.cmpi ne, %convert_element_type3A_95, %cond3A_96 : i32
      scf.if %cond3A_97 {
        %add3A_98 = arith.constant 2 : i32
        %add3A_99 = arith.addi %add3A_60, %add3A_98 : i32
        %add3A_100 = arith.constant 1 : i32
        %add3A_101 = arith.addi %add3A_99, %add3A_100 : i32
        %dma_start3A_102 = arith.constant 0 : i32
        %dma_start3A_103 = tpu.memref_slice %arg8[%add3A_101, %dma_start3A_102] : memref<40x128xi32, #tpu.memory_space<vmem>> -> memref<1x128xi32, #tpu.memory_space<vmem>>
        %dma_start3A_104 = tpu.memref_squeeze %dma_start3A_103 : memref<1x128xi32, #tpu.memory_space<vmem>> -> memref<128xi32, #tpu.memory_space<vmem>>
        %dma_start3A_105 = arith.constant 0 : i32
        %dma_start3A_106 = arith.constant 0 : i32
        %dma_start3A_107 = tpu.memref_slice %arg2[%dma_start3A_105, %dma_start3A_106] : memref<10000x256xbf16, #tpu.memory_space<hbm>> -> memref<10000x256xbf16, #tpu.memory_space<hbm>>
        tpu.enqueue_indirect_dma source(%dma_start3A_107 : memref<10000x256xbf16, #tpu.memory_space<hbm>>) target(%arg12 : memref<128x256xbf16, #tpu.memory_space<vmem>>) offsets(%dma_start3A_104 : memref<128xi32, #tpu.memory_space<vmem>>) semaphore(%arg14 : memref<!tpu.dma_semaphore, #tpu.memory_space<semaphore_mem>>)
      } else {
      }
    }
    %scan3A_47 = arith.constant 20 : i32
    %scan3A_48 = arith.constant 1 : i32
    %barrier3A_49 = arith.constant 0 : index
    tpu.barrier barrier_id(%barrier3A_49)
    %lt3A = arith.constant 15 : i32
    %lt3A_50 = arith.cmpi slt, %arg1, %lt3A : i32
    %convert_element_type3A = arith.extui %lt3A_50 : i1 to i32
    %cond3A = arith.constant 0 : i32
    %cond3A_51 = arith.cmpi ne, %convert_element_type3A, %cond3A : i32
    scf.if %cond3A_51 {
      %mul3A_56 = arith.constant 640 : i32
      %mul3A_57 = arith.muli %arg1, %mul3A_56 : i32
      %mul3A_58 = arith.constant 640 : i32
      %mul3A_59 = arith.muli %arg1, %mul3A_58 : i32
      "tpu.region"() ({
        %run_scoped3A = tpu.sem_alloc : memref<!tpu.dma_semaphore, #tpu.memory_space<semaphore_mem>>
        %dma_start3A_60 = arith.constant 0 : i32
        %dma_start3A_61 = tpu.memref_slice %arg7[%arg0, %mul3A_59, %dma_start3A_60] : memref<2x10000x256xbf16, #tpu.memory_space<hbm>> -> memref<1x640x256xbf16, #tpu.memory_space<hbm>>
        %dma_start3A_62 = tpu.memref_squeeze %dma_start3A_61 : memref<1x640x256xbf16, #tpu.memory_space<hbm>> -> memref<640x256xbf16, #tpu.memory_space<hbm>>
        %dma_start3A_63 = arith.constant 0 : i32
        %dma_start3A_64 = tpu.memref_slice %arg10[%mul3A_57, %dma_start3A_63] : memref<10240x256xbf16, #tpu.memory_space<vmem_shared>> -> memref<640x256xbf16, #tpu.memory_space<vmem_shared>>
        tpu.enqueue_dma source(%dma_start3A_64 : memref<640x256xbf16, #tpu.memory_space<vmem_shared>>) target(%dma_start3A_62 : memref<640x256xbf16, #tpu.memory_space<hbm>>) target_semaphore(%run_scoped3A : memref<!tpu.dma_semaphore, #tpu.memory_space<semaphore_mem>>)
        %dma_wait3A = arith.constant 0 : i32
        %dma_wait3A_65 = tpu.memref_slice %arg7[%arg0, %mul3A_59, %dma_wait3A] : memref<2x10000x256xbf16, #tpu.memory_space<hbm>> -> memref<1x640x256xbf16, #tpu.memory_space<hbm>>
        %dma_wait3A_66 = tpu.memref_squeeze %dma_wait3A_65 : memref<1x640x256xbf16, #tpu.memory_space<hbm>> -> memref<640x256xbf16, #tpu.memory_space<hbm>>
        %dma_wait3A_67 = arith.constant 0 : i32
        %dma_wait3A_68 = tpu.memref_slice %arg10[%mul3A_57, %dma_wait3A_67] : memref<10240x256xbf16, #tpu.memory_space<vmem_shared>> -> memref<640x256xbf16, #tpu.memory_space<vmem_shared>>
        tpu.wait_dma2 semaphore(%run_scoped3A : memref<!tpu.dma_semaphore, #tpu.memory_space<semaphore_mem>>) src(%dma_wait3A_68 : memref<640x256xbf16, #tpu.memory_space<vmem_shared>>) dst(%dma_wait3A_66 : memref<640x256xbf16, #tpu.memory_space<hbm>>)
        tpu.yield
      }) : () -> ()
    } else {
    }
    %eq3A = arith.constant 15 : i32
    %eq3A_52 = arith.cmpi eq, %arg1, %eq3A : i32
    %convert_element_type3A_53 = arith.extui %eq3A_52 : i1 to i32
    %cond3A_54 = arith.constant 0 : i32
    %cond3A_55 = arith.cmpi ne, %convert_element_type3A_53, %cond3A_54 : i32
    scf.if %cond3A_55 {
      "tpu.region"() ({
        %run_scoped3A = tpu.sem_alloc : memref<!tpu.dma_semaphore, #tpu.memory_space<semaphore_mem>>
        %dma_start3A_56 = arith.constant 9600 : i32
        %dma_start3A_57 = arith.constant 0 : i32
        %dma_start3A_58 = tpu.memref_slice %arg7[%arg0, %dma_start3A_56, %dma_start3A_57] : memref<2x10000x256xbf16, #tpu.memory_space<hbm>> -> memref<1x400x256xbf16, #tpu.memory_space<hbm>>
        %dma_start3A_59 = tpu.memref_squeeze %dma_start3A_58 : memref<1x400x256xbf16, #tpu.memory_space<hbm>> -> memref<400x256xbf16, #tpu.memory_space<hbm>>
        %dma_start3A_60 = arith.constant 9600 : i32
        %dma_start3A_61 = arith.constant 0 : i32
        %dma_start3A_62 = tpu.memref_slice %arg10[%dma_start3A_60, %dma_start3A_61] : memref<10240x256xbf16, #tpu.memory_space<vmem_shared>> -> memref<400x256xbf16, #tpu.memory_space<vmem_shared>>
        tpu.enqueue_dma source(%dma_start3A_62 : memref<400x256xbf16, #tpu.memory_space<vmem_shared>>) target(%dma_start3A_59 : memref<400x256xbf16, #tpu.memory_space<hbm>>) target_semaphore(%run_scoped3A : memref<!tpu.dma_semaphore, #tpu.memory_space<semaphore_mem>>)
        %dma_wait3A = arith.constant 9600 : i32
        %dma_wait3A_63 = arith.constant 0 : i32
        %dma_wait3A_64 = tpu.memref_slice %arg7[%arg0, %dma_wait3A, %dma_wait3A_63] : memref<2x10000x256xbf16, #tpu.memory_space<hbm>> -> memref<1x400x256xbf16, #tpu.memory_space<hbm>>
        %dma_wait3A_65 = tpu.memref_squeeze %dma_wait3A_64 : memref<1x400x256xbf16, #tpu.memory_space<hbm>> -> memref<400x256xbf16, #tpu.memory_space<hbm>>
        %dma_wait3A_66 = arith.constant 9600 : i32
        %dma_wait3A_67 = arith.constant 0 : i32
        %dma_wait3A_68 = tpu.memref_slice %arg10[%dma_wait3A_66, %dma_wait3A_67] : memref<10240x256xbf16, #tpu.memory_space<vmem_shared>> -> memref<400x256xbf16, #tpu.memory_space<vmem_shared>>
        tpu.wait_dma2 semaphore(%run_scoped3A : memref<!tpu.dma_semaphore, #tpu.memory_space<semaphore_mem>>) src(%dma_wait3A_68 : memref<400x256xbf16, #tpu.memory_space<vmem_shared>>) dst(%dma_wait3A_65 : memref<400x256xbf16, #tpu.memory_space<hbm>>)
        tpu.yield
      }) : () -> ()
    } else {
    }
    return
  }
}

#map = affine_map<(d0, d1) -> (0, 0)>
#map1 = affine_map<(d0, d1) -> (0, 0, 0)>
module attributes {stable_mosaic.version = 14 : i64} {
  func.func @_deg_body(%arg0: i32, %arg1: i32, %arg2: memref<1280x128xi32, #tpu.memory_space<hbm>>, %arg3: memref<128x8xf32, #tpu.memory_space<hbm>>, %arg4: memref<128x8xf32, #tpu.memory_space<hbm>>, %arg5: memref<2x10240x8xf32, #tpu.memory_space<hbm>>, %arg6: memref<40x128xi32, #tpu.memory_space<vmem>>, %arg7: memref<128x8xf32, #tpu.memory_space<vmem>>, %arg8: memref<128x8xf32, #tpu.memory_space<vmem>>, %arg9: memref<10240x8xf32, #tpu.memory_space<vmem_shared>>, %arg10: memref<!tpu.dma_semaphore, #tpu.memory_space<semaphore_mem>>) attributes {dimension_semantics = [#tpu.dimension_semantics<core_parallel>, #tpu.dimension_semantics<subcore_parallel>], iteration_bounds = array<i64: 2, 16>, scalar_prefetch = 0 : i64, scratch_operands = 5 : i64, tpu.core_type = #tpu.core_type<sc_vector_subcore>, window_params = [{transform_indices = #map}, {transform_indices = #map}, {transform_indices = #map}, {transform_indices = #map1}]} {
    "tpu.region"() ({
      %run_scoped3A = tpu.sem_alloc : memref<!tpu.dma_semaphore, #tpu.memory_space<semaphore_mem>>
      tpu.enqueue_dma source(%arg4 : memref<128x8xf32, #tpu.memory_space<hbm>>) target(%arg8 : memref<128x8xf32, #tpu.memory_space<vmem>>) target_semaphore(%run_scoped3A : memref<!tpu.dma_semaphore, #tpu.memory_space<semaphore_mem>>)
      tpu.wait_dma2 semaphore(%run_scoped3A : memref<!tpu.dma_semaphore, #tpu.memory_space<semaphore_mem>>) src(%arg4 : memref<128x8xf32, #tpu.memory_space<hbm>>) dst(%arg8 : memref<128x8xf32, #tpu.memory_space<vmem>>)
      tpu.yield
    }) : () -> ()
    %mul3A = arith.constant 640 : i32
    %mul3A_0 = arith.muli %arg1, %mul3A : i32
    %add3A = arith.constant 0 : i32
    %add3A_1 = arith.addi %mul3A_0, %add3A : i32
    "tpu.region"() ({
      %run_scoped3A = tpu.sem_alloc : memref<!tpu.dma_semaphore, #tpu.memory_space<semaphore_mem>>
      %dma_start3A = arith.constant 0 : i32
      %dma_start3A_32 = tpu.memref_slice %arg9[%add3A_1, %dma_start3A] : memref<10240x8xf32, #tpu.memory_space<vmem_shared>> -> memref<128x8xf32, #tpu.memory_space<vmem_shared>>
      %dma_start3A_33 = arith.constant 0 : i32
      %dma_start3A_34 = tpu.memref_slice %arg9[%add3A_1, %dma_start3A_33] : memref<10240x8xf32, #tpu.memory_space<vmem_shared>> -> memref<128x8xf32, #tpu.memory_space<vmem_shared>>
      tpu.enqueue_dma source(%arg8 : memref<128x8xf32, #tpu.memory_space<vmem>>) target(%dma_start3A_34 : memref<128x8xf32, #tpu.memory_space<vmem_shared>>) target_semaphore(%run_scoped3A : memref<!tpu.dma_semaphore, #tpu.memory_space<semaphore_mem>>)
      %dma_wait3A = arith.constant 0 : i32
      %dma_wait3A_35 = tpu.memref_slice %arg9[%add3A_1, %dma_wait3A] : memref<10240x8xf32, #tpu.memory_space<vmem_shared>> -> memref<128x8xf32, #tpu.memory_space<vmem_shared>>
      %dma_wait3A_36 = arith.constant 0 : i32
      %dma_wait3A_37 = tpu.memref_slice %arg9[%add3A_1, %dma_wait3A_36] : memref<10240x8xf32, #tpu.memory_space<vmem_shared>> -> memref<128x8xf32, #tpu.memory_space<vmem_shared>>
      tpu.wait_dma2 semaphore(%run_scoped3A : memref<!tpu.dma_semaphore, #tpu.memory_space<semaphore_mem>>) src(%arg8 : memref<128x8xf32, #tpu.memory_space<vmem>>) dst(%dma_wait3A_37 : memref<128x8xf32, #tpu.memory_space<vmem_shared>>)
      tpu.yield
    }) : () -> ()
    %mul3A_2 = arith.constant 640 : i32
    %mul3A_3 = arith.muli %arg1, %mul3A_2 : i32
    %add3A_4 = arith.constant 128 : i32
    %add3A_5 = arith.addi %mul3A_3, %add3A_4 : i32
    "tpu.region"() ({
      %run_scoped3A = tpu.sem_alloc : memref<!tpu.dma_semaphore, #tpu.memory_space<semaphore_mem>>
      %dma_start3A = arith.constant 0 : i32
      %dma_start3A_32 = tpu.memref_slice %arg9[%add3A_5, %dma_start3A] : memref<10240x8xf32, #tpu.memory_space<vmem_shared>> -> memref<128x8xf32, #tpu.memory_space<vmem_shared>>
      %dma_start3A_33 = arith.constant 0 : i32
      %dma_start3A_34 = tpu.memref_slice %arg9[%add3A_5, %dma_start3A_33] : memref<10240x8xf32, #tpu.memory_space<vmem_shared>> -> memref<128x8xf32, #tpu.memory_space<vmem_shared>>
      tpu.enqueue_dma source(%arg8 : memref<128x8xf32, #tpu.memory_space<vmem>>) target(%dma_start3A_34 : memref<128x8xf32, #tpu.memory_space<vmem_shared>>) target_semaphore(%run_scoped3A : memref<!tpu.dma_semaphore, #tpu.memory_space<semaphore_mem>>)
      %dma_wait3A = arith.constant 0 : i32
      %dma_wait3A_35 = tpu.memref_slice %arg9[%add3A_5, %dma_wait3A] : memref<10240x8xf32, #tpu.memory_space<vmem_shared>> -> memref<128x8xf32, #tpu.memory_space<vmem_shared>>
      %dma_wait3A_36 = arith.constant 0 : i32
      %dma_wait3A_37 = tpu.memref_slice %arg9[%add3A_5, %dma_wait3A_36] : memref<10240x8xf32, #tpu.memory_space<vmem_shared>> -> memref<128x8xf32, #tpu.memory_space<vmem_shared>>
      tpu.wait_dma2 semaphore(%run_scoped3A : memref<!tpu.dma_semaphore, #tpu.memory_space<semaphore_mem>>) src(%arg8 : memref<128x8xf32, #tpu.memory_space<vmem>>) dst(%dma_wait3A_37 : memref<128x8xf32, #tpu.memory_space<vmem_shared>>)
      tpu.yield
    }) : () -> ()
    %mul3A_6 = arith.constant 640 : i32
    %mul3A_7 = arith.muli %arg1, %mul3A_6 : i32
    %add3A_8 = arith.constant 256 : i32
    %add3A_9 = arith.addi %mul3A_7, %add3A_8 : i32
    "tpu.region"() ({
      %run_scoped3A = tpu.sem_alloc : memref<!tpu.dma_semaphore, #tpu.memory_space<semaphore_mem>>
      %dma_start3A = arith.constant 0 : i32
      %dma_start3A_32 = tpu.memref_slice %arg9[%add3A_9, %dma_start3A] : memref<10240x8xf32, #tpu.memory_space<vmem_shared>> -> memref<128x8xf32, #tpu.memory_space<vmem_shared>>
      %dma_start3A_33 = arith.constant 0 : i32
      %dma_start3A_34 = tpu.memref_slice %arg9[%add3A_9, %dma_start3A_33] : memref<10240x8xf32, #tpu.memory_space<vmem_shared>> -> memref<128x8xf32, #tpu.memory_space<vmem_shared>>
      tpu.enqueue_dma source(%arg8 : memref<128x8xf32, #tpu.memory_space<vmem>>) target(%dma_start3A_34 : memref<128x8xf32, #tpu.memory_space<vmem_shared>>) target_semaphore(%run_scoped3A : memref<!tpu.dma_semaphore, #tpu.memory_space<semaphore_mem>>)
      %dma_wait3A = arith.constant 0 : i32
      %dma_wait3A_35 = tpu.memref_slice %arg9[%add3A_9, %dma_wait3A] : memref<10240x8xf32, #tpu.memory_space<vmem_shared>> -> memref<128x8xf32, #tpu.memory_space<vmem_shared>>
      %dma_wait3A_36 = arith.constant 0 : i32
      %dma_wait3A_37 = tpu.memref_slice %arg9[%add3A_9, %dma_wait3A_36] : memref<10240x8xf32, #tpu.memory_space<vmem_shared>> -> memref<128x8xf32, #tpu.memory_space<vmem_shared>>
      tpu.wait_dma2 semaphore(%run_scoped3A : memref<!tpu.dma_semaphore, #tpu.memory_space<semaphore_mem>>) src(%arg8 : memref<128x8xf32, #tpu.memory_space<vmem>>) dst(%dma_wait3A_37 : memref<128x8xf32, #tpu.memory_space<vmem_shared>>)
      tpu.yield
    }) : () -> ()
    %mul3A_10 = arith.constant 640 : i32
    %mul3A_11 = arith.muli %arg1, %mul3A_10 : i32
    %add3A_12 = arith.constant 384 : i32
    %add3A_13 = arith.addi %mul3A_11, %add3A_12 : i32
    "tpu.region"() ({
      %run_scoped3A = tpu.sem_alloc : memref<!tpu.dma_semaphore, #tpu.memory_space<semaphore_mem>>
      %dma_start3A = arith.constant 0 : i32
      %dma_start3A_32 = tpu.memref_slice %arg9[%add3A_13, %dma_start3A] : memref<10240x8xf32, #tpu.memory_space<vmem_shared>> -> memref<128x8xf32, #tpu.memory_space<vmem_shared>>
      %dma_start3A_33 = arith.constant 0 : i32
      %dma_start3A_34 = tpu.memref_slice %arg9[%add3A_13, %dma_start3A_33] : memref<10240x8xf32, #tpu.memory_space<vmem_shared>> -> memref<128x8xf32, #tpu.memory_space<vmem_shared>>
      tpu.enqueue_dma source(%arg8 : memref<128x8xf32, #tpu.memory_space<vmem>>) target(%dma_start3A_34 : memref<128x8xf32, #tpu.memory_space<vmem_shared>>) target_semaphore(%run_scoped3A : memref<!tpu.dma_semaphore, #tpu.memory_space<semaphore_mem>>)
      %dma_wait3A = arith.constant 0 : i32
      %dma_wait3A_35 = tpu.memref_slice %arg9[%add3A_13, %dma_wait3A] : memref<10240x8xf32, #tpu.memory_space<vmem_shared>> -> memref<128x8xf32, #tpu.memory_space<vmem_shared>>
      %dma_wait3A_36 = arith.constant 0 : i32
      %dma_wait3A_37 = tpu.memref_slice %arg9[%add3A_13, %dma_wait3A_36] : memref<10240x8xf32, #tpu.memory_space<vmem_shared>> -> memref<128x8xf32, #tpu.memory_space<vmem_shared>>
      tpu.wait_dma2 semaphore(%run_scoped3A : memref<!tpu.dma_semaphore, #tpu.memory_space<semaphore_mem>>) src(%arg8 : memref<128x8xf32, #tpu.memory_space<vmem>>) dst(%dma_wait3A_37 : memref<128x8xf32, #tpu.memory_space<vmem_shared>>)
      tpu.yield
    }) : () -> ()
    %mul3A_14 = arith.constant 640 : i32
    %mul3A_15 = arith.muli %arg1, %mul3A_14 : i32
    %add3A_16 = arith.constant 512 : i32
    %add3A_17 = arith.addi %mul3A_15, %add3A_16 : i32
    "tpu.region"() ({
      %run_scoped3A = tpu.sem_alloc : memref<!tpu.dma_semaphore, #tpu.memory_space<semaphore_mem>>
      %dma_start3A = arith.constant 0 : i32
      %dma_start3A_32 = tpu.memref_slice %arg9[%add3A_17, %dma_start3A] : memref<10240x8xf32, #tpu.memory_space<vmem_shared>> -> memref<128x8xf32, #tpu.memory_space<vmem_shared>>
      %dma_start3A_33 = arith.constant 0 : i32
      %dma_start3A_34 = tpu.memref_slice %arg9[%add3A_17, %dma_start3A_33] : memref<10240x8xf32, #tpu.memory_space<vmem_shared>> -> memref<128x8xf32, #tpu.memory_space<vmem_shared>>
      tpu.enqueue_dma source(%arg8 : memref<128x8xf32, #tpu.memory_space<vmem>>) target(%dma_start3A_34 : memref<128x8xf32, #tpu.memory_space<vmem_shared>>) target_semaphore(%run_scoped3A : memref<!tpu.dma_semaphore, #tpu.memory_space<semaphore_mem>>)
      %dma_wait3A = arith.constant 0 : i32
      %dma_wait3A_35 = tpu.memref_slice %arg9[%add3A_17, %dma_wait3A] : memref<10240x8xf32, #tpu.memory_space<vmem_shared>> -> memref<128x8xf32, #tpu.memory_space<vmem_shared>>
      %dma_wait3A_36 = arith.constant 0 : i32
      %dma_wait3A_37 = tpu.memref_slice %arg9[%add3A_17, %dma_wait3A_36] : memref<10240x8xf32, #tpu.memory_space<vmem_shared>> -> memref<128x8xf32, #tpu.memory_space<vmem_shared>>
      tpu.wait_dma2 semaphore(%run_scoped3A : memref<!tpu.dma_semaphore, #tpu.memory_space<semaphore_mem>>) src(%arg8 : memref<128x8xf32, #tpu.memory_space<vmem>>) dst(%dma_wait3A_37 : memref<128x8xf32, #tpu.memory_space<vmem_shared>>)
      tpu.yield
    }) : () -> ()
    "tpu.region"() ({
      %run_scoped3A = tpu.sem_alloc : memref<!tpu.dma_semaphore, #tpu.memory_space<semaphore_mem>>
      tpu.enqueue_dma source(%arg3 : memref<128x8xf32, #tpu.memory_space<hbm>>) target(%arg7 : memref<128x8xf32, #tpu.memory_space<vmem>>) target_semaphore(%run_scoped3A : memref<!tpu.dma_semaphore, #tpu.memory_space<semaphore_mem>>)
      tpu.wait_dma2 semaphore(%run_scoped3A : memref<!tpu.dma_semaphore, #tpu.memory_space<semaphore_mem>>) src(%arg3 : memref<128x8xf32, #tpu.memory_space<hbm>>) dst(%arg7 : memref<128x8xf32, #tpu.memory_space<vmem>>)
      tpu.yield
    }) : () -> ()
    %mul3A_18 = arith.constant 16 : i32
    %mul3A_19 = arith.muli %arg0, %mul3A_18 : i32
    %add3A_20 = arith.addi %mul3A_19, %arg1 : i32
    %mul3A_21 = arith.constant 40 : i32
    %mul3A_22 = arith.muli %add3A_20, %mul3A_21 : i32
    "tpu.region"() ({
      %run_scoped3A = tpu.sem_alloc : memref<!tpu.dma_semaphore, #tpu.memory_space<semaphore_mem>>
      %dma_start3A = arith.constant 0 : i32
      %dma_start3A_32 = tpu.memref_slice %arg2[%mul3A_22, %dma_start3A] : memref<1280x128xi32, #tpu.memory_space<hbm>> -> memref<40x128xi32, #tpu.memory_space<hbm>>
      %dma_start3A_33 = arith.constant 0 : i32
      %dma_start3A_34 = tpu.memref_slice %arg2[%mul3A_22, %dma_start3A_33] : memref<1280x128xi32, #tpu.memory_space<hbm>> -> memref<40x128xi32, #tpu.memory_space<hbm>>
      tpu.enqueue_dma source(%dma_start3A_34 : memref<40x128xi32, #tpu.memory_space<hbm>>) target(%arg6 : memref<40x128xi32, #tpu.memory_space<vmem>>) target_semaphore(%run_scoped3A : memref<!tpu.dma_semaphore, #tpu.memory_space<semaphore_mem>>)
      %dma_wait3A = arith.constant 0 : i32
      %dma_wait3A_35 = tpu.memref_slice %arg2[%mul3A_22, %dma_wait3A] : memref<1280x128xi32, #tpu.memory_space<hbm>> -> memref<40x128xi32, #tpu.memory_space<hbm>>
      %dma_wait3A_36 = arith.constant 0 : i32
      %dma_wait3A_37 = tpu.memref_slice %arg2[%mul3A_22, %dma_wait3A_36] : memref<1280x128xi32, #tpu.memory_space<hbm>> -> memref<40x128xi32, #tpu.memory_space<hbm>>
      tpu.wait_dma2 semaphore(%run_scoped3A : memref<!tpu.dma_semaphore, #tpu.memory_space<semaphore_mem>>) src(%dma_wait3A_37 : memref<40x128xi32, #tpu.memory_space<hbm>>) dst(%arg6 : memref<40x128xi32, #tpu.memory_space<vmem>>)
      tpu.yield
    }) : () -> ()
    %barrier3A = arith.constant 0 : index
    tpu.barrier barrier_id(%barrier3A)
    %scan3A = arith.constant 0 : i32
    %scan3A_23 = arith.constant 40 : i32
    %scan3A_24 = arith.addi %scan3A, %scan3A_23 : i32
    %scan3A_25 = arith.constant 1 : i32
    scf.for %scan3A_32 = %scan3A to %scan3A_24 step %scan3A_25  : i32 {
      %mul3A_33 = arith.constant 1 : i32
      %mul3A_34 = arith.muli %scan3A_32, %mul3A_33 : i32
      %add3A_35 = arith.constant 0 : i32
      %add3A_36 = arith.addi %add3A_35, %mul3A_34 : i32
      "tpu.region"() ({
        %run_scoped3A = tpu.sem_alloc : memref<!tpu.dma_semaphore, #tpu.memory_space<semaphore_mem>>
        %dma_start3A = arith.constant 0 : i32
        %dma_start3A_37 = tpu.memref_slice %arg6[%add3A_36, %dma_start3A] : memref<40x128xi32, #tpu.memory_space<vmem>> -> memref<1x128xi32, #tpu.memory_space<vmem>>
        %dma_start3A_38 = tpu.memref_squeeze %dma_start3A_37 : memref<1x128xi32, #tpu.memory_space<vmem>> -> memref<128xi32, #tpu.memory_space<vmem>>
        %dma_start3A_39 = arith.constant 0 : i32
        %dma_start3A_40 = arith.constant 0 : i32
        %dma_start3A_41 = tpu.memref_slice %arg9[%dma_start3A_39, %dma_start3A_40] : memref<10240x8xf32, #tpu.memory_space<vmem_shared>> -> memref<10240x8xf32, #tpu.memory_space<vmem_shared>>
        tpu.enqueue_indirect_dma source(%arg7 : memref<128x8xf32, #tpu.memory_space<vmem>>) target(%dma_start3A_41 : memref<10240x8xf32, #tpu.memory_space<vmem_shared>>) offsets(%dma_start3A_38 : memref<128xi32, #tpu.memory_space<vmem>>) semaphore(%run_scoped3A : memref<!tpu.dma_semaphore, #tpu.memory_space<semaphore_mem>>) {add = true}
        %dma_wait3A = arith.constant 0 : i32
        %dma_wait3A_42 = tpu.memref_slice %arg6[%add3A_36, %dma_wait3A] : memref<40x128xi32, #tpu.memory_space<vmem>> -> memref<1x128xi32, #tpu.memory_space<vmem>>
        %dma_wait3A_43 = tpu.memref_squeeze %dma_wait3A_42 : memref<1x128xi32, #tpu.memory_space<vmem>> -> memref<128xi32, #tpu.memory_space<vmem>>
        %dma_wait3A_44 = arith.constant 0 : i32
        %dma_wait3A_45 = arith.constant 0 : i32
        %dma_wait3A_46 = tpu.memref_slice %arg9[%dma_wait3A_44, %dma_wait3A_45] : memref<10240x8xf32, #tpu.memory_space<vmem_shared>> -> memref<10240x8xf32, #tpu.memory_space<vmem_shared>>
        tpu.wait_indirect_dma semaphore(%run_scoped3A : memref<!tpu.dma_semaphore, #tpu.memory_space<semaphore_mem>>) src(%arg7 : memref<128x8xf32, #tpu.memory_space<vmem>>) dst(%dma_wait3A_46 : memref<10240x8xf32, #tpu.memory_space<vmem_shared>>)
        tpu.yield
      }) : () -> ()
    }
    %scan3A_26 = arith.constant 40 : i32
    %barrier3A_27 = arith.constant 0 : index
    tpu.barrier barrier_id(%barrier3A_27)
    %mul3A_28 = arith.constant 640 : i32
    %mul3A_29 = arith.muli %arg1, %mul3A_28 : i32
    %mul3A_30 = arith.constant 640 : i32
    %mul3A_31 = arith.muli %arg1, %mul3A_30 : i32
    "tpu.region"() ({
      %run_scoped3A = tpu.sem_alloc : memref<!tpu.dma_semaphore, #tpu.memory_space<semaphore_mem>>
      %dma_start3A = arith.constant 0 : i32
      %dma_start3A_32 = tpu.memref_slice %arg5[%arg0, %mul3A_31, %dma_start3A] : memref<2x10240x8xf32, #tpu.memory_space<hbm>> -> memref<1x640x8xf32, #tpu.memory_space<hbm>>
      %dma_start3A_33 = tpu.memref_squeeze %dma_start3A_32 : memref<1x640x8xf32, #tpu.memory_space<hbm>> -> memref<640x8xf32, #tpu.memory_space<hbm>>
      %dma_start3A_34 = arith.constant 0 : i32
      %dma_start3A_35 = tpu.memref_slice %arg9[%mul3A_29, %dma_start3A_34] : memref<10240x8xf32, #tpu.memory_space<vmem_shared>> -> memref<640x8xf32, #tpu.memory_space<vmem_shared>>
      tpu.enqueue_dma source(%dma_start3A_35 : memref<640x8xf32, #tpu.memory_space<vmem_shared>>) target(%dma_start3A_33 : memref<640x8xf32, #tpu.memory_space<hbm>>) target_semaphore(%run_scoped3A : memref<!tpu.dma_semaphore, #tpu.memory_space<semaphore_mem>>)
      %dma_wait3A = arith.constant 0 : i32
      %dma_wait3A_36 = tpu.memref_slice %arg5[%arg0, %mul3A_31, %dma_wait3A] : memref<2x10240x8xf32, #tpu.memory_space<hbm>> -> memref<1x640x8xf32, #tpu.memory_space<hbm>>
      %dma_wait3A_37 = tpu.memref_squeeze %dma_wait3A_36 : memref<1x640x8xf32, #tpu.memory_space<hbm>> -> memref<640x8xf32, #tpu.memory_space<hbm>>
      %dma_wait3A_38 = arith.constant 0 : i32
      %dma_wait3A_39 = tpu.memref_slice %arg9[%mul3A_29, %dma_wait3A_38] : memref<10240x8xf32, #tpu.memory_space<vmem_shared>> -> memref<640x8xf32, #tpu.memory_space<vmem_shared>>
      tpu.wait_dma2 semaphore(%run_scoped3A : memref<!tpu.dma_semaphore, #tpu.memory_space<semaphore_mem>>) src(%dma_wait3A_39 : memref<640x8xf32, #tpu.memory_space<vmem_shared>>) dst(%dma_wait3A_37 : memref<640x8xf32, #tpu.memory_space<hbm>>)
      tpu.yield
    }) : () -> ()
    return
  }
}

#map = affine_map<(d0, d1) -> (0, 0)>
#map1 = affine_map<(d0, d1) -> (0, 0, 0)>
module attributes {stable_mosaic.version = 14 : i64} {
  func.func @body(%arg0: i32, %arg1: i32, %arg2: memref<10000x64xbf16, #tpu.memory_space<hbm>>, %arg3: memref<10000x64xbf16, #tpu.memory_space<hbm>>, %arg4: memref<1280x128xi32, #tpu.memory_space<hbm>>, %arg5: memref<1280x128xi32, #tpu.memory_space<hbm>>, %arg6: memref<128x64xbf16, #tpu.memory_space<hbm>>, %arg7: memref<2x10000x64xbf16, #tpu.memory_space<hbm>>, %arg8: memref<40x128xi32, #tpu.memory_space<vmem>>, %arg9: memref<40x128xi32, #tpu.memory_space<vmem>>, %arg10: memref<10240x64xbf16, #tpu.memory_space<vmem_shared>>, %arg11: memref<128x64xbf16, #tpu.memory_space<vmem>>, %arg12: memref<128x64xbf16, #tpu.memory_space<vmem>>, %arg13: memref<!tpu.dma_semaphore, #tpu.memory_space<semaphore_mem>>, %arg14: memref<!tpu.dma_semaphore, #tpu.memory_space<semaphore_mem>>) attributes {dimension_semantics = [#tpu.dimension_semantics<core_parallel>, #tpu.dimension_semantics<subcore_parallel>], iteration_bounds = array<i64: 2, 16>, scalar_prefetch = 0 : i64, scratch_operands = 7 : i64, tpu.core_type = #tpu.core_type<sc_vector_subcore>, window_params = [{transform_indices = #map}, {transform_indices = #map}, {transform_indices = #map}, {transform_indices = #map}, {transform_indices = #map}, {transform_indices = #map1}]} {
    %mul3A = arith.constant 640 : i32
    %mul3A_0 = arith.muli %arg1, %mul3A : i32
    %add3A = arith.constant 0 : i32
    %add3A_1 = arith.addi %mul3A_0, %add3A : i32
    "tpu.region"() ({
      %run_scoped3A = tpu.sem_alloc : memref<!tpu.dma_semaphore, #tpu.memory_space<semaphore_mem>>
      %dma_start3A_56 = arith.constant 0 : i32
      %dma_start3A_57 = tpu.memref_slice %arg10[%add3A_1, %dma_start3A_56] : memref<10240x64xbf16, #tpu.memory_space<vmem_shared>> -> memref<128x64xbf16, #tpu.memory_space<vmem_shared>>
      tpu.enqueue_dma source(%arg6 : memref<128x64xbf16, #tpu.memory_space<hbm>>) target(%dma_start3A_57 : memref<128x64xbf16, #tpu.memory_space<vmem_shared>>) target_semaphore(%run_scoped3A : memref<!tpu.dma_semaphore, #tpu.memory_space<semaphore_mem>>)
      %dma_wait3A = arith.constant 0 : i32
      %dma_wait3A_58 = tpu.memref_slice %arg10[%add3A_1, %dma_wait3A] : memref<10240x64xbf16, #tpu.memory_space<vmem_shared>> -> memref<128x64xbf16, #tpu.memory_space<vmem_shared>>
      tpu.wait_dma2 semaphore(%run_scoped3A : memref<!tpu.dma_semaphore, #tpu.memory_space<semaphore_mem>>) src(%arg6 : memref<128x64xbf16, #tpu.memory_space<hbm>>) dst(%dma_wait3A_58 : memref<128x64xbf16, #tpu.memory_space<vmem_shared>>)
      tpu.yield
    }) : () -> ()
    %mul3A_2 = arith.constant 640 : i32
    %mul3A_3 = arith.muli %arg1, %mul3A_2 : i32
    %add3A_4 = arith.constant 128 : i32
    %add3A_5 = arith.addi %mul3A_3, %add3A_4 : i32
    "tpu.region"() ({
      %run_scoped3A = tpu.sem_alloc : memref<!tpu.dma_semaphore, #tpu.memory_space<semaphore_mem>>
      %dma_start3A_56 = arith.constant 0 : i32
      %dma_start3A_57 = tpu.memref_slice %arg10[%add3A_5, %dma_start3A_56] : memref<10240x64xbf16, #tpu.memory_space<vmem_shared>> -> memref<128x64xbf16, #tpu.memory_space<vmem_shared>>
      tpu.enqueue_dma source(%arg6 : memref<128x64xbf16, #tpu.memory_space<hbm>>) target(%dma_start3A_57 : memref<128x64xbf16, #tpu.memory_space<vmem_shared>>) target_semaphore(%run_scoped3A : memref<!tpu.dma_semaphore, #tpu.memory_space<semaphore_mem>>)
      %dma_wait3A = arith.constant 0 : i32
      %dma_wait3A_58 = tpu.memref_slice %arg10[%add3A_5, %dma_wait3A] : memref<10240x64xbf16, #tpu.memory_space<vmem_shared>> -> memref<128x64xbf16, #tpu.memory_space<vmem_shared>>
      tpu.wait_dma2 semaphore(%run_scoped3A : memref<!tpu.dma_semaphore, #tpu.memory_space<semaphore_mem>>) src(%arg6 : memref<128x64xbf16, #tpu.memory_space<hbm>>) dst(%dma_wait3A_58 : memref<128x64xbf16, #tpu.memory_space<vmem_shared>>)
      tpu.yield
    }) : () -> ()
    %mul3A_6 = arith.constant 640 : i32
    %mul3A_7 = arith.muli %arg1, %mul3A_6 : i32
    %add3A_8 = arith.constant 256 : i32
    %add3A_9 = arith.addi %mul3A_7, %add3A_8 : i32
    "tpu.region"() ({
      %run_scoped3A = tpu.sem_alloc : memref<!tpu.dma_semaphore, #tpu.memory_space<semaphore_mem>>
      %dma_start3A_56 = arith.constant 0 : i32
      %dma_start3A_57 = tpu.memref_slice %arg10[%add3A_9, %dma_start3A_56] : memref<10240x64xbf16, #tpu.memory_space<vmem_shared>> -> memref<128x64xbf16, #tpu.memory_space<vmem_shared>>
      tpu.enqueue_dma source(%arg6 : memref<128x64xbf16, #tpu.memory_space<hbm>>) target(%dma_start3A_57 : memref<128x64xbf16, #tpu.memory_space<vmem_shared>>) target_semaphore(%run_scoped3A : memref<!tpu.dma_semaphore, #tpu.memory_space<semaphore_mem>>)
      %dma_wait3A = arith.constant 0 : i32
      %dma_wait3A_58 = tpu.memref_slice %arg10[%add3A_9, %dma_wait3A] : memref<10240x64xbf16, #tpu.memory_space<vmem_shared>> -> memref<128x64xbf16, #tpu.memory_space<vmem_shared>>
      tpu.wait_dma2 semaphore(%run_scoped3A : memref<!tpu.dma_semaphore, #tpu.memory_space<semaphore_mem>>) src(%arg6 : memref<128x64xbf16, #tpu.memory_space<hbm>>) dst(%dma_wait3A_58 : memref<128x64xbf16, #tpu.memory_space<vmem_shared>>)
      tpu.yield
    }) : () -> ()
    %mul3A_10 = arith.constant 640 : i32
    %mul3A_11 = arith.muli %arg1, %mul3A_10 : i32
    %add3A_12 = arith.constant 384 : i32
    %add3A_13 = arith.addi %mul3A_11, %add3A_12 : i32
    "tpu.region"() ({
      %run_scoped3A = tpu.sem_alloc : memref<!tpu.dma_semaphore, #tpu.memory_space<semaphore_mem>>
      %dma_start3A_56 = arith.constant 0 : i32
      %dma_start3A_57 = tpu.memref_slice %arg10[%add3A_13, %dma_start3A_56] : memref<10240x64xbf16, #tpu.memory_space<vmem_shared>> -> memref<128x64xbf16, #tpu.memory_space<vmem_shared>>
      tpu.enqueue_dma source(%arg6 : memref<128x64xbf16, #tpu.memory_space<hbm>>) target(%dma_start3A_57 : memref<128x64xbf16, #tpu.memory_space<vmem_shared>>) target_semaphore(%run_scoped3A : memref<!tpu.dma_semaphore, #tpu.memory_space<semaphore_mem>>)
      %dma_wait3A = arith.constant 0 : i32
      %dma_wait3A_58 = tpu.memref_slice %arg10[%add3A_13, %dma_wait3A] : memref<10240x64xbf16, #tpu.memory_space<vmem_shared>> -> memref<128x64xbf16, #tpu.memory_space<vmem_shared>>
      tpu.wait_dma2 semaphore(%run_scoped3A : memref<!tpu.dma_semaphore, #tpu.memory_space<semaphore_mem>>) src(%arg6 : memref<128x64xbf16, #tpu.memory_space<hbm>>) dst(%dma_wait3A_58 : memref<128x64xbf16, #tpu.memory_space<vmem_shared>>)
      tpu.yield
    }) : () -> ()
    %mul3A_14 = arith.constant 640 : i32
    %mul3A_15 = arith.muli %arg1, %mul3A_14 : i32
    %add3A_16 = arith.constant 512 : i32
    %add3A_17 = arith.addi %mul3A_15, %add3A_16 : i32
    "tpu.region"() ({
      %run_scoped3A = tpu.sem_alloc : memref<!tpu.dma_semaphore, #tpu.memory_space<semaphore_mem>>
      %dma_start3A_56 = arith.constant 0 : i32
      %dma_start3A_57 = tpu.memref_slice %arg10[%add3A_17, %dma_start3A_56] : memref<10240x64xbf16, #tpu.memory_space<vmem_shared>> -> memref<128x64xbf16, #tpu.memory_space<vmem_shared>>
      tpu.enqueue_dma source(%arg6 : memref<128x64xbf16, #tpu.memory_space<hbm>>) target(%dma_start3A_57 : memref<128x64xbf16, #tpu.memory_space<vmem_shared>>) target_semaphore(%run_scoped3A : memref<!tpu.dma_semaphore, #tpu.memory_space<semaphore_mem>>)
      %dma_wait3A = arith.constant 0 : i32
      %dma_wait3A_58 = tpu.memref_slice %arg10[%add3A_17, %dma_wait3A] : memref<10240x64xbf16, #tpu.memory_space<vmem_shared>> -> memref<128x64xbf16, #tpu.memory_space<vmem_shared>>
      tpu.wait_dma2 semaphore(%run_scoped3A : memref<!tpu.dma_semaphore, #tpu.memory_space<semaphore_mem>>) src(%arg6 : memref<128x64xbf16, #tpu.memory_space<hbm>>) dst(%dma_wait3A_58 : memref<128x64xbf16, #tpu.memory_space<vmem_shared>>)
      tpu.yield
    }) : () -> ()
    %mul3A_18 = arith.constant 16 : i32
    %mul3A_19 = arith.muli %arg0, %mul3A_18 : i32
    %add3A_20 = arith.addi %mul3A_19, %arg1 : i32
    %mul3A_21 = arith.constant 40 : i32
    %mul3A_22 = arith.muli %add3A_20, %mul3A_21 : i32
    %barrier3A = arith.constant 0 : index
    tpu.barrier barrier_id(%barrier3A)
    %scan3A = arith.constant 0 : i32
    %mul3A_23 = arith.constant 1 : i32
    %mul3A_24 = arith.muli %scan3A, %mul3A_23 : i32
    %add3A_25 = arith.constant 0 : i32
    %add3A_26 = arith.addi %add3A_25, %mul3A_24 : i32
    %mul3A_27 = arith.constant 40 : i32
    %mul3A_28 = arith.muli %add3A_26, %mul3A_27 : i32
    %add3A_29 = arith.addi %mul3A_22, %mul3A_28 : i32
    "tpu.region"() ({
      %run_scoped3A = tpu.sem_alloc : memref<!tpu.dma_semaphore, #tpu.memory_space<semaphore_mem>>
      %dma_start3A_56 = arith.constant 0 : i32
      %dma_start3A_57 = tpu.memref_slice %arg4[%add3A_29, %dma_start3A_56] : memref<1280x128xi32, #tpu.memory_space<hbm>> -> memref<40x128xi32, #tpu.memory_space<hbm>>
      %dma_start3A_58 = arith.constant 0 : i32
      %dma_start3A_59 = tpu.memref_slice %arg4[%add3A_29, %dma_start3A_58] : memref<1280x128xi32, #tpu.memory_space<hbm>> -> memref<40x128xi32, #tpu.memory_space<hbm>>
      tpu.enqueue_dma source(%dma_start3A_59 : memref<40x128xi32, #tpu.memory_space<hbm>>) target(%arg8 : memref<40x128xi32, #tpu.memory_space<vmem>>) target_semaphore(%run_scoped3A : memref<!tpu.dma_semaphore, #tpu.memory_space<semaphore_mem>>)
      %dma_wait3A = arith.constant 0 : i32
      %dma_wait3A_60 = tpu.memref_slice %arg4[%add3A_29, %dma_wait3A] : memref<1280x128xi32, #tpu.memory_space<hbm>> -> memref<40x128xi32, #tpu.memory_space<hbm>>
      %dma_wait3A_61 = arith.constant 0 : i32
      %dma_wait3A_62 = tpu.memref_slice %arg4[%add3A_29, %dma_wait3A_61] : memref<1280x128xi32, #tpu.memory_space<hbm>> -> memref<40x128xi32, #tpu.memory_space<hbm>>
      tpu.wait_dma2 semaphore(%run_scoped3A : memref<!tpu.dma_semaphore, #tpu.memory_space<semaphore_mem>>) src(%dma_wait3A_62 : memref<40x128xi32, #tpu.memory_space<hbm>>) dst(%arg8 : memref<40x128xi32, #tpu.memory_space<vmem>>)
      tpu.yield
    }) : () -> ()
    "tpu.region"() ({
      %run_scoped3A = tpu.sem_alloc : memref<!tpu.dma_semaphore, #tpu.memory_space<semaphore_mem>>
      %dma_start3A_56 = arith.constant 0 : i32
      %dma_start3A_57 = tpu.memref_slice %arg5[%add3A_29, %dma_start3A_56] : memref<1280x128xi32, #tpu.memory_space<hbm>> -> memref<40x128xi32, #tpu.memory_space<hbm>>
      %dma_start3A_58 = arith.constant 0 : i32
      %dma_start3A_59 = tpu.memref_slice %arg5[%add3A_29, %dma_start3A_58] : memref<1280x128xi32, #tpu.memory_space<hbm>> -> memref<40x128xi32, #tpu.memory_space<hbm>>
      tpu.enqueue_dma source(%dma_start3A_59 : memref<40x128xi32, #tpu.memory_space<hbm>>) target(%arg9 : memref<40x128xi32, #tpu.memory_space<vmem>>) target_semaphore(%run_scoped3A : memref<!tpu.dma_semaphore, #tpu.memory_space<semaphore_mem>>)
      %dma_wait3A = arith.constant 0 : i32
      %dma_wait3A_60 = tpu.memref_slice %arg5[%add3A_29, %dma_wait3A] : memref<1280x128xi32, #tpu.memory_space<hbm>> -> memref<40x128xi32, #tpu.memory_space<hbm>>
      %dma_wait3A_61 = arith.constant 0 : i32
      %dma_wait3A_62 = tpu.memref_slice %arg5[%add3A_29, %dma_wait3A_61] : memref<1280x128xi32, #tpu.memory_space<hbm>> -> memref<40x128xi32, #tpu.memory_space<hbm>>
      tpu.wait_dma2 semaphore(%run_scoped3A : memref<!tpu.dma_semaphore, #tpu.memory_space<semaphore_mem>>) src(%dma_wait3A_62 : memref<40x128xi32, #tpu.memory_space<hbm>>) dst(%arg9 : memref<40x128xi32, #tpu.memory_space<vmem>>)
      tpu.yield
    }) : () -> ()
    %dma_start3A = arith.constant 0 : i32
    %dma_start3A_30 = arith.constant 0 : i32
    %dma_start3A_31 = tpu.memref_slice %arg8[%dma_start3A, %dma_start3A_30] : memref<40x128xi32, #tpu.memory_space<vmem>> -> memref<1x128xi32, #tpu.memory_space<vmem>>
    %dma_start3A_32 = tpu.memref_squeeze %dma_start3A_31 : memref<1x128xi32, #tpu.memory_space<vmem>> -> memref<128xi32, #tpu.memory_space<vmem>>
    %dma_start3A_33 = arith.constant 0 : i32
    %dma_start3A_34 = arith.constant 0 : i32
    %dma_start3A_35 = tpu.memref_slice %arg2[%dma_start3A_33, %dma_start3A_34] : memref<10000x64xbf16, #tpu.memory_space<hbm>> -> memref<10000x64xbf16, #tpu.memory_space<hbm>>
    tpu.enqueue_indirect_dma source(%dma_start3A_35 : memref<10000x64xbf16, #tpu.memory_space<hbm>>) target(%arg11 : memref<128x64xbf16, #tpu.memory_space<vmem>>) offsets(%dma_start3A_32 : memref<128xi32, #tpu.memory_space<vmem>>) semaphore(%arg13 : memref<!tpu.dma_semaphore, #tpu.memory_space<semaphore_mem>>)
    %dma_start3A_36 = arith.constant 1 : i32
    %dma_start3A_37 = arith.constant 0 : i32
    %dma_start3A_38 = tpu.memref_slice %arg8[%dma_start3A_36, %dma_start3A_37] : memref<40x128xi32, #tpu.memory_space<vmem>> -> memref<1x128xi32, #tpu.memory_space<vmem>>
    %dma_start3A_39 = tpu.memref_squeeze %dma_start3A_38 : memref<1x128xi32, #tpu.memory_space<vmem>> -> memref<128xi32, #tpu.memory_space<vmem>>
    %dma_start3A_40 = arith.constant 0 : i32
    %dma_start3A_41 = arith.constant 0 : i32
    %dma_start3A_42 = tpu.memref_slice %arg2[%dma_start3A_40, %dma_start3A_41] : memref<10000x64xbf16, #tpu.memory_space<hbm>> -> memref<10000x64xbf16, #tpu.memory_space<hbm>>
    tpu.enqueue_indirect_dma source(%dma_start3A_42 : memref<10000x64xbf16, #tpu.memory_space<hbm>>) target(%arg12 : memref<128x64xbf16, #tpu.memory_space<vmem>>) offsets(%dma_start3A_39 : memref<128xi32, #tpu.memory_space<vmem>>) semaphore(%arg14 : memref<!tpu.dma_semaphore, #tpu.memory_space<semaphore_mem>>)
    %scan3A_43 = arith.constant 0 : i32
    %scan3A_44 = arith.constant 20 : i32
    %scan3A_45 = arith.addi %scan3A_43, %scan3A_44 : i32
    %scan3A_46 = arith.constant 1 : i32
    scf.for %scan3A_56 = %scan3A_43 to %scan3A_45 step %scan3A_46  : i32 {
      %mul3A_57 = arith.constant 2 : i32
      %mul3A_58 = arith.muli %scan3A_56, %mul3A_57 : i32
      %add3A_59 = arith.constant 0 : i32
      %add3A_60 = arith.addi %add3A_59, %mul3A_58 : i32
      %add3A_61 = arith.constant 0 : i32
      %add3A_62 = arith.addi %add3A_60, %add3A_61 : i32
      %dma_wait3A = arith.constant 0 : i32
      %dma_wait3A_63 = tpu.memref_slice %arg8[%add3A_62, %dma_wait3A] : memref<40x128xi32, #tpu.memory_space<vmem>> -> memref<1x128xi32, #tpu.memory_space<vmem>>
      %dma_wait3A_64 = tpu.memref_squeeze %dma_wait3A_63 : memref<1x128xi32, #tpu.memory_space<vmem>> -> memref<128xi32, #tpu.memory_space<vmem>>
      %dma_wait3A_65 = arith.constant 0 : i32
      %dma_wait3A_66 = arith.constant 0 : i32
      %dma_wait3A_67 = tpu.memref_slice %arg2[%dma_wait3A_65, %dma_wait3A_66] : memref<10000x64xbf16, #tpu.memory_space<hbm>> -> memref<10000x64xbf16, #tpu.memory_space<hbm>>
      tpu.wait_indirect_dma semaphore(%arg13 : memref<!tpu.dma_semaphore, #tpu.memory_space<semaphore_mem>>) src(%dma_wait3A_67 : memref<10000x64xbf16, #tpu.memory_space<hbm>>) dst(%arg11 : memref<128x64xbf16, #tpu.memory_space<vmem>>)
      %add3A_68 = arith.constant 0 : i32
      %add3A_69 = arith.addi %add3A_60, %add3A_68 : i32
      "tpu.region"() ({
        %run_scoped3A = tpu.sem_alloc : memref<!tpu.dma_semaphore, #tpu.memory_space<semaphore_mem>>
        %dma_start3A_98 = arith.constant 0 : i32
        %dma_start3A_99 = tpu.memref_slice %arg9[%add3A_69, %dma_start3A_98] : memref<40x128xi32, #tpu.memory_space<vmem>> -> memref<1x128xi32, #tpu.memory_space<vmem>>
        %dma_start3A_100 = tpu.memref_squeeze %dma_start3A_99 : memref<1x128xi32, #tpu.memory_space<vmem>> -> memref<128xi32, #tpu.memory_space<vmem>>
        %dma_start3A_101 = arith.constant 0 : i32
        %dma_start3A_102 = arith.constant 0 : i32
        %dma_start3A_103 = tpu.memref_slice %arg10[%dma_start3A_101, %dma_start3A_102] : memref<10240x64xbf16, #tpu.memory_space<vmem_shared>> -> memref<10240x64xbf16, #tpu.memory_space<vmem_shared>>
        tpu.enqueue_indirect_dma source(%arg11 : memref<128x64xbf16, #tpu.memory_space<vmem>>) target(%dma_start3A_103 : memref<10240x64xbf16, #tpu.memory_space<vmem_shared>>) offsets(%dma_start3A_100 : memref<128xi32, #tpu.memory_space<vmem>>) semaphore(%run_scoped3A : memref<!tpu.dma_semaphore, #tpu.memory_space<semaphore_mem>>) {add = true}
        %dma_wait3A_104 = arith.constant 0 : i32
        %dma_wait3A_105 = tpu.memref_slice %arg9[%add3A_69, %dma_wait3A_104] : memref<40x128xi32, #tpu.memory_space<vmem>> -> memref<1x128xi32, #tpu.memory_space<vmem>>
        %dma_wait3A_106 = tpu.memref_squeeze %dma_wait3A_105 : memref<1x128xi32, #tpu.memory_space<vmem>> -> memref<128xi32, #tpu.memory_space<vmem>>
        %dma_wait3A_107 = arith.constant 0 : i32
        %dma_wait3A_108 = arith.constant 0 : i32
        %dma_wait3A_109 = tpu.memref_slice %arg10[%dma_wait3A_107, %dma_wait3A_108] : memref<10240x64xbf16, #tpu.memory_space<vmem_shared>> -> memref<10240x64xbf16, #tpu.memory_space<vmem_shared>>
        tpu.wait_indirect_dma semaphore(%run_scoped3A : memref<!tpu.dma_semaphore, #tpu.memory_space<semaphore_mem>>) src(%arg11 : memref<128x64xbf16, #tpu.memory_space<vmem>>) dst(%dma_wait3A_109 : memref<10240x64xbf16, #tpu.memory_space<vmem_shared>>)
        tpu.yield
      }) : () -> ()
      %add3A_70 = arith.constant 2 : i32
      %add3A_71 = arith.addi %add3A_60, %add3A_70 : i32
      %add3A_72 = arith.constant 0 : i32
      %add3A_73 = arith.addi %add3A_71, %add3A_72 : i32
      %lt3A_74 = arith.constant 40 : i32
      %lt3A_75 = arith.cmpi slt, %add3A_73, %lt3A_74 : i32
      %convert_element_type3A_76 = arith.extui %lt3A_75 : i1 to i32
      %cond3A_77 = arith.constant 0 : i32
      %cond3A_78 = arith.cmpi ne, %convert_element_type3A_76, %cond3A_77 : i32
      scf.if %cond3A_78 {
        %add3A_98 = arith.constant 2 : i32
        %add3A_99 = arith.addi %add3A_60, %add3A_98 : i32
        %add3A_100 = arith.constant 0 : i32
        %add3A_101 = arith.addi %add3A_99, %add3A_100 : i32
        %dma_start3A_102 = arith.constant 0 : i32
        %dma_start3A_103 = tpu.memref_slice %arg8[%add3A_101, %dma_start3A_102] : memref<40x128xi32, #tpu.memory_space<vmem>> -> memref<1x128xi32, #tpu.memory_space<vmem>>
        %dma_start3A_104 = tpu.memref_squeeze %dma_start3A_103 : memref<1x128xi32, #tpu.memory_space<vmem>> -> memref<128xi32, #tpu.memory_space<vmem>>
        %dma_start3A_105 = arith.constant 0 : i32
        %dma_start3A_106 = arith.constant 0 : i32
        %dma_start3A_107 = tpu.memref_slice %arg2[%dma_start3A_105, %dma_start3A_106] : memref<10000x64xbf16, #tpu.memory_space<hbm>> -> memref<10000x64xbf16, #tpu.memory_space<hbm>>
        tpu.enqueue_indirect_dma source(%dma_start3A_107 : memref<10000x64xbf16, #tpu.memory_space<hbm>>) target(%arg11 : memref<128x64xbf16, #tpu.memory_space<vmem>>) offsets(%dma_start3A_104 : memref<128xi32, #tpu.memory_space<vmem>>) semaphore(%arg13 : memref<!tpu.dma_semaphore, #tpu.memory_space<semaphore_mem>>)
      } else {
      }
      %add3A_79 = arith.constant 1 : i32
      %add3A_80 = arith.addi %add3A_60, %add3A_79 : i32
      %dma_wait3A_81 = arith.constant 0 : i32
      %dma_wait3A_82 = tpu.memref_slice %arg8[%add3A_80, %dma_wait3A_81] : memref<40x128xi32, #tpu.memory_space<vmem>> -> memref<1x128xi32, #tpu.memory_space<vmem>>
      %dma_wait3A_83 = tpu.memref_squeeze %dma_wait3A_82 : memref<1x128xi32, #tpu.memory_space<vmem>> -> memref<128xi32, #tpu.memory_space<vmem>>
      %dma_wait3A_84 = arith.constant 0 : i32
      %dma_wait3A_85 = arith.constant 0 : i32
      %dma_wait3A_86 = tpu.memref_slice %arg2[%dma_wait3A_84, %dma_wait3A_85] : memref<10000x64xbf16, #tpu.memory_space<hbm>> -> memref<10000x64xbf16, #tpu.memory_space<hbm>>
      tpu.wait_indirect_dma semaphore(%arg14 : memref<!tpu.dma_semaphore, #tpu.memory_space<semaphore_mem>>) src(%dma_wait3A_86 : memref<10000x64xbf16, #tpu.memory_space<hbm>>) dst(%arg12 : memref<128x64xbf16, #tpu.memory_space<vmem>>)
      %add3A_87 = arith.constant 1 : i32
      %add3A_88 = arith.addi %add3A_60, %add3A_87 : i32
      "tpu.region"() ({
        %run_scoped3A = tpu.sem_alloc : memref<!tpu.dma_semaphore, #tpu.memory_space<semaphore_mem>>
        %dma_start3A_98 = arith.constant 0 : i32
        %dma_start3A_99 = tpu.memref_slice %arg9[%add3A_88, %dma_start3A_98] : memref<40x128xi32, #tpu.memory_space<vmem>> -> memref<1x128xi32, #tpu.memory_space<vmem>>
        %dma_start3A_100 = tpu.memref_squeeze %dma_start3A_99 : memref<1x128xi32, #tpu.memory_space<vmem>> -> memref<128xi32, #tpu.memory_space<vmem>>
        %dma_start3A_101 = arith.constant 0 : i32
        %dma_start3A_102 = arith.constant 0 : i32
        %dma_start3A_103 = tpu.memref_slice %arg10[%dma_start3A_101, %dma_start3A_102] : memref<10240x64xbf16, #tpu.memory_space<vmem_shared>> -> memref<10240x64xbf16, #tpu.memory_space<vmem_shared>>
        tpu.enqueue_indirect_dma source(%arg12 : memref<128x64xbf16, #tpu.memory_space<vmem>>) target(%dma_start3A_103 : memref<10240x64xbf16, #tpu.memory_space<vmem_shared>>) offsets(%dma_start3A_100 : memref<128xi32, #tpu.memory_space<vmem>>) semaphore(%run_scoped3A : memref<!tpu.dma_semaphore, #tpu.memory_space<semaphore_mem>>) {add = true}
        %dma_wait3A_104 = arith.constant 0 : i32
        %dma_wait3A_105 = tpu.memref_slice %arg9[%add3A_88, %dma_wait3A_104] : memref<40x128xi32, #tpu.memory_space<vmem>> -> memref<1x128xi32, #tpu.memory_space<vmem>>
        %dma_wait3A_106 = tpu.memref_squeeze %dma_wait3A_105 : memref<1x128xi32, #tpu.memory_space<vmem>> -> memref<128xi32, #tpu.memory_space<vmem>>
        %dma_wait3A_107 = arith.constant 0 : i32
        %dma_wait3A_108 = arith.constant 0 : i32
        %dma_wait3A_109 = tpu.memref_slice %arg10[%dma_wait3A_107, %dma_wait3A_108] : memref<10240x64xbf16, #tpu.memory_space<vmem_shared>> -> memref<10240x64xbf16, #tpu.memory_space<vmem_shared>>
        tpu.wait_indirect_dma semaphore(%run_scoped3A : memref<!tpu.dma_semaphore, #tpu.memory_space<semaphore_mem>>) src(%arg12 : memref<128x64xbf16, #tpu.memory_space<vmem>>) dst(%dma_wait3A_109 : memref<10240x64xbf16, #tpu.memory_space<vmem_shared>>)
        tpu.yield
      }) : () -> ()
      %add3A_89 = arith.constant 2 : i32
      %add3A_90 = arith.addi %add3A_60, %add3A_89 : i32
      %add3A_91 = arith.constant 1 : i32
      %add3A_92 = arith.addi %add3A_90, %add3A_91 : i32
      %lt3A_93 = arith.constant 40 : i32
      %lt3A_94 = arith.cmpi slt, %add3A_92, %lt3A_93 : i32
      %convert_element_type3A_95 = arith.extui %lt3A_94 : i1 to i32
      %cond3A_96 = arith.constant 0 : i32
      %cond3A_97 = arith.cmpi ne, %convert_element_type3A_95, %cond3A_96 : i32
      scf.if %cond3A_97 {
        %add3A_98 = arith.constant 2 : i32
        %add3A_99 = arith.addi %add3A_60, %add3A_98 : i32
        %add3A_100 = arith.constant 1 : i32
        %add3A_101 = arith.addi %add3A_99, %add3A_100 : i32
        %dma_start3A_102 = arith.constant 0 : i32
        %dma_start3A_103 = tpu.memref_slice %arg8[%add3A_101, %dma_start3A_102] : memref<40x128xi32, #tpu.memory_space<vmem>> -> memref<1x128xi32, #tpu.memory_space<vmem>>
        %dma_start3A_104 = tpu.memref_squeeze %dma_start3A_103 : memref<1x128xi32, #tpu.memory_space<vmem>> -> memref<128xi32, #tpu.memory_space<vmem>>
        %dma_start3A_105 = arith.constant 0 : i32
        %dma_start3A_106 = arith.constant 0 : i32
        %dma_start3A_107 = tpu.memref_slice %arg2[%dma_start3A_105, %dma_start3A_106] : memref<10000x64xbf16, #tpu.memory_space<hbm>> -> memref<10000x64xbf16, #tpu.memory_space<hbm>>
        tpu.enqueue_indirect_dma source(%dma_start3A_107 : memref<10000x64xbf16, #tpu.memory_space<hbm>>) target(%arg12 : memref<128x64xbf16, #tpu.memory_space<vmem>>) offsets(%dma_start3A_104 : memref<128xi32, #tpu.memory_space<vmem>>) semaphore(%arg14 : memref<!tpu.dma_semaphore, #tpu.memory_space<semaphore_mem>>)
      } else {
      }
    }
    %scan3A_47 = arith.constant 20 : i32
    %scan3A_48 = arith.constant 1 : i32
    %barrier3A_49 = arith.constant 0 : index
    tpu.barrier barrier_id(%barrier3A_49)
    %lt3A = arith.constant 15 : i32
    %lt3A_50 = arith.cmpi slt, %arg1, %lt3A : i32
    %convert_element_type3A = arith.extui %lt3A_50 : i1 to i32
    %cond3A = arith.constant 0 : i32
    %cond3A_51 = arith.cmpi ne, %convert_element_type3A, %cond3A : i32
    scf.if %cond3A_51 {
      %mul3A_56 = arith.constant 640 : i32
      %mul3A_57 = arith.muli %arg1, %mul3A_56 : i32
      %mul3A_58 = arith.constant 640 : i32
      %mul3A_59 = arith.muli %arg1, %mul3A_58 : i32
      "tpu.region"() ({
        %run_scoped3A = tpu.sem_alloc : memref<!tpu.dma_semaphore, #tpu.memory_space<semaphore_mem>>
        %dma_start3A_60 = arith.constant 0 : i32
        %dma_start3A_61 = tpu.memref_slice %arg7[%arg0, %mul3A_59, %dma_start3A_60] : memref<2x10000x64xbf16, #tpu.memory_space<hbm>> -> memref<1x640x64xbf16, #tpu.memory_space<hbm>>
        %dma_start3A_62 = tpu.memref_squeeze %dma_start3A_61 : memref<1x640x64xbf16, #tpu.memory_space<hbm>> -> memref<640x64xbf16, #tpu.memory_space<hbm>>
        %dma_start3A_63 = arith.constant 0 : i32
        %dma_start3A_64 = tpu.memref_slice %arg10[%mul3A_57, %dma_start3A_63] : memref<10240x64xbf16, #tpu.memory_space<vmem_shared>> -> memref<640x64xbf16, #tpu.memory_space<vmem_shared>>
        tpu.enqueue_dma source(%dma_start3A_64 : memref<640x64xbf16, #tpu.memory_space<vmem_shared>>) target(%dma_start3A_62 : memref<640x64xbf16, #tpu.memory_space<hbm>>) target_semaphore(%run_scoped3A : memref<!tpu.dma_semaphore, #tpu.memory_space<semaphore_mem>>)
        %dma_wait3A = arith.constant 0 : i32
        %dma_wait3A_65 = tpu.memref_slice %arg7[%arg0, %mul3A_59, %dma_wait3A] : memref<2x10000x64xbf16, #tpu.memory_space<hbm>> -> memref<1x640x64xbf16, #tpu.memory_space<hbm>>
        %dma_wait3A_66 = tpu.memref_squeeze %dma_wait3A_65 : memref<1x640x64xbf16, #tpu.memory_space<hbm>> -> memref<640x64xbf16, #tpu.memory_space<hbm>>
        %dma_wait3A_67 = arith.constant 0 : i32
        %dma_wait3A_68 = tpu.memref_slice %arg10[%mul3A_57, %dma_wait3A_67] : memref<10240x64xbf16, #tpu.memory_space<vmem_shared>> -> memref<640x64xbf16, #tpu.memory_space<vmem_shared>>
        tpu.wait_dma2 semaphore(%run_scoped3A : memref<!tpu.dma_semaphore, #tpu.memory_space<semaphore_mem>>) src(%dma_wait3A_68 : memref<640x64xbf16, #tpu.memory_space<vmem_shared>>) dst(%dma_wait3A_66 : memref<640x64xbf16, #tpu.memory_space<hbm>>)
        tpu.yield
      }) : () -> ()
    } else {
    }
    %eq3A = arith.constant 15 : i32
    %eq3A_52 = arith.cmpi eq, %arg1, %eq3A : i32
    %convert_element_type3A_53 = arith.extui %eq3A_52 : i1 to i32
    %cond3A_54 = arith.constant 0 : i32
    %cond3A_55 = arith.cmpi ne, %convert_element_type3A_53, %cond3A_54 : i32
    scf.if %cond3A_55 {
      "tpu.region"() ({
        %run_scoped3A = tpu.sem_alloc : memref<!tpu.dma_semaphore, #tpu.memory_space<semaphore_mem>>
        %dma_start3A_56 = arith.constant 9600 : i32
        %dma_start3A_57 = arith.constant 0 : i32
        %dma_start3A_58 = tpu.memref_slice %arg7[%arg0, %dma_start3A_56, %dma_start3A_57] : memref<2x10000x64xbf16, #tpu.memory_space<hbm>> -> memref<1x400x64xbf16, #tpu.memory_space<hbm>>
        %dma_start3A_59 = tpu.memref_squeeze %dma_start3A_58 : memref<1x400x64xbf16, #tpu.memory_space<hbm>> -> memref<400x64xbf16, #tpu.memory_space<hbm>>
        %dma_start3A_60 = arith.constant 9600 : i32
        %dma_start3A_61 = arith.constant 0 : i32
        %dma_start3A_62 = tpu.memref_slice %arg10[%dma_start3A_60, %dma_start3A_61] : memref<10240x64xbf16, #tpu.memory_space<vmem_shared>> -> memref<400x64xbf16, #tpu.memory_space<vmem_shared>>
        tpu.enqueue_dma source(%dma_start3A_62 : memref<400x64xbf16, #tpu.memory_space<vmem_shared>>) target(%dma_start3A_59 : memref<400x64xbf16, #tpu.memory_space<hbm>>) target_semaphore(%run_scoped3A : memref<!tpu.dma_semaphore, #tpu.memory_space<semaphore_mem>>)
        %dma_wait3A = arith.constant 9600 : i32
        %dma_wait3A_63 = arith.constant 0 : i32
        %dma_wait3A_64 = tpu.memref_slice %arg7[%arg0, %dma_wait3A, %dma_wait3A_63] : memref<2x10000x64xbf16, #tpu.memory_space<hbm>> -> memref<1x400x64xbf16, #tpu.memory_space<hbm>>
        %dma_wait3A_65 = tpu.memref_squeeze %dma_wait3A_64 : memref<1x400x64xbf16, #tpu.memory_space<hbm>> -> memref<400x64xbf16, #tpu.memory_space<hbm>>
        %dma_wait3A_66 = arith.constant 9600 : i32
        %dma_wait3A_67 = arith.constant 0 : i32
        %dma_wait3A_68 = tpu.memref_slice %arg10[%dma_wait3A_66, %dma_wait3A_67] : memref<10240x64xbf16, #tpu.memory_space<vmem_shared>> -> memref<400x64xbf16, #tpu.memory_space<vmem_shared>>
        tpu.wait_dma2 semaphore(%run_scoped3A : memref<!tpu.dma_semaphore, #tpu.memory_space<semaphore_mem>>) src(%dma_wait3A_68 : memref<400x64xbf16, #tpu.memory_space<vmem_shared>>) dst(%dma_wait3A_65 : memref<400x64xbf16, #tpu.memory_space<hbm>>)
        tpu.yield
      }) : () -> ()
    } else {
    }
    return
  }
}

module attributes {stable_mosaic.version = 14 : i64} {
  func.func @_mm1_body(%arg0: i32, %arg1: memref<2000x256xf32, #tpu.memory_space<vmem>>, %arg2: memref<256x256xf32, #tpu.memory_space<vmem>>, %arg3: memref<2000x1xf32, #tpu.memory_space<vmem>>, %arg4: memref<2000x1xf32, #tpu.memory_space<vmem>>, %arg5: memref<2000x256xbf16, #tpu.memory_space<vmem>>) attributes {dimension_semantics = [#tpu.dimension_semantics<arbitrary>], iteration_bounds = array<i64: 5>, scalar_prefetch = 0 : i64, scratch_operands = 0 : i64, tpu.core_type = #tpu.core_type<tc>, window_params = [{transform_indices = @transform_0, window_bounds = array<i64: 2000, 256>}, {pipeline_mode = #tpu.pipeline_mode<synchronous>, transform_indices = @transform_1, window_bounds = array<i64: 256, 256>}, {transform_indices = @transform_2, window_bounds = array<i64: 2000, 1>}, {transform_indices = @transform_3, window_bounds = array<i64: 2000, 1>}, {transform_indices = @transform_4, window_bounds = array<i64: 2000, 256>}]} {
    %get3A = arith.constant 0 : index
    %get3A_0 = arith.constant 0 : index
    %get3A_1 = vector.load %arg3[%get3A, %get3A_0] : memref<2000x1xf32, #tpu.memory_space<vmem>>, vector<2000x1xf32>
    %get3A_2 = arith.constant 0 : index
    %get3A_3 = arith.constant 0 : index
    %get3A_4 = vector.load %arg4[%get3A_2, %get3A_3] : memref<2000x1xf32, #tpu.memory_space<vmem>>, vector<2000x1xf32>
    %add3A = arith.addf %get3A_1, %get3A_4 : vector<2000x1xf32>
    %gt3A = arith.constant 0.000000e+00 : f32
    %gt3A_5 = vector.broadcast %gt3A : f32 to vector<2000x1xf32>
    %gt3A_6 = arith.cmpf ogt, %add3A, %gt3A_5 : vector<2000x1xf32>
    %rsqrt3A = math.rsqrt %add3A : vector<2000x1xf32>
    %jit3A = arith.constant 0.000000e+00 : f32
    %broadcast_in_dim3A = vector.broadcast %jit3A : f32 to vector<2000x1xf32>
    %select_n3A = arith.select %gt3A_6, %rsqrt3A, %broadcast_in_dim3A : vector<2000x1xi1>, vector<2000x1xf32>
    %get3A_7 = arith.constant 0 : index
    %get3A_8 = arith.constant 0 : index
    %get3A_9 = vector.load %arg1[%get3A_7, %get3A_8] : memref<2000x256xf32, #tpu.memory_space<vmem>>, vector<2000x256xf32>
    %get3A_10 = arith.constant 0 : index
    %get3A_11 = arith.constant 0 : index
    %get3A_12 = vector.load %arg2[%get3A_10, %get3A_11] : memref<256x256xf32, #tpu.memory_space<vmem>>, vector<256x256xf32>
    %dot_general3A = arith.constant dense<0.000000e+00> : vector<2000x256xf32>
    %dot_general3A_13 = tpu.matmul %get3A_9, %get3A_12, %dot_general3A {dimension_numbers = #tpu.dot_dimension_numbers<[1], [0], [0], [1], [0, 0, 1, 1], [], []>, transpose_lhs_hint = false} : vector<2000x256xf32>, vector<256x256xf32>, vector<2000x256xf32> -> vector<2000x256xf32>
    %mul3A = vector.broadcast %select_n3A : vector<2000x1xf32> to vector<2000x256xf32>
    %mul3A_14 = arith.mulf %dot_general3A_13, %mul3A : vector<2000x256xf32>
    %convert_element_type3A = arith.truncf %mul3A_14 : vector<2000x256xf32> to vector<2000x256xbf16>
    %swap3A = arith.constant 0 : index
    %swap3A_15 = arith.constant 0 : index
    %swap3A_16 = vector.load %arg5[%swap3A, %swap3A_15] : memref<2000x256xbf16, #tpu.memory_space<vmem>>, vector<2000x256xbf16>
    tpu.vector_store %arg5[%swap3A, %swap3A_15], %convert_element_type3A {strides = array<i32>} : memref<2000x256xbf16, #tpu.memory_space<vmem>>, vector<2000x256xbf16>,
    return
  }
  func.func @transform_0(%arg0: i32) -> (i32, i32) {
    %c0_i32 = arith.constant 0 : i32
    %c0_i32_0 = arith.constant 0 : i32
    return %arg0, %c0_i32 : i32, i32
  }
  func.func @transform_1(%arg0: i32) -> (i32, i32) {
    %c0_i32 = arith.constant 0 : i32
    %c0_i32_0 = arith.constant 0 : i32
    %c0_i32_1 = arith.constant 0 : i32
    return %c0_i32, %c0_i32_0 : i32, i32
  }
  func.func @transform_2(%arg0: i32) -> (i32, i32) {
    %c0_i32 = arith.constant 0 : i32
    %c0_i32_0 = arith.constant 0 : i32
    return %arg0, %c0_i32 : i32, i32
  }
  func.func @transform_3(%arg0: i32) -> (i32, i32) {
    %c0_i32 = arith.constant 0 : i32
    %c0_i32_0 = arith.constant 0 : i32
    return %arg0, %c0_i32 : i32, i32
  }
  func.func @transform_4(%arg0: i32) -> (i32, i32) {
    %c0_i32 = arith.constant 0 : i32
    %c0_i32_0 = arith.constant 0 : i32
    return %arg0, %c0_i32 : i32, i32
  }
}

module attributes {stable_mosaic.version = 14 : i64} {
  func.func @_mmv_body(%arg0: i32, %arg1: memref<2000x256xf32, #tpu.memory_space<vmem>>, %arg2: memref<256x256xf32, #tpu.memory_space<vmem>>, %arg3: memref<2000x256xf32, #tpu.memory_space<vmem>>) attributes {dimension_semantics = [#tpu.dimension_semantics<arbitrary>], iteration_bounds = array<i64: 5>, scalar_prefetch = 0 : i64, scratch_operands = 0 : i64, tpu.core_type = #tpu.core_type<tc>, window_params = [{transform_indices = @transform_0, window_bounds = array<i64: 2000, 256>}, {pipeline_mode = #tpu.pipeline_mode<synchronous>, transform_indices = @transform_1, window_bounds = array<i64: 256, 256>}, {transform_indices = @transform_2, window_bounds = array<i64: 2000, 256>}]} {
    %get3A = arith.constant 0 : index
    %get3A_0 = arith.constant 0 : index
    %get3A_1 = vector.load %arg1[%get3A, %get3A_0] : memref<2000x256xf32, #tpu.memory_space<vmem>>, vector<2000x256xf32>
    %get3A_2 = arith.constant 0 : index
    %get3A_3 = arith.constant 0 : index
    %get3A_4 = vector.load %arg2[%get3A_2, %get3A_3] : memref<256x256xf32, #tpu.memory_space<vmem>>, vector<256x256xf32>
    %dot_general3A = arith.constant dense<0.000000e+00> : vector<2000x256xf32>
    %dot_general3A_5 = tpu.matmul %get3A_1, %get3A_4, %dot_general3A {dimension_numbers = #tpu.dot_dimension_numbers<[1], [0], [0], [1], [0, 0, 1, 1], [], []>, transpose_lhs_hint = false} : vector<2000x256xf32>, vector<256x256xf32>, vector<2000x256xf32> -> vector<2000x256xf32>
    %swap3A = arith.constant 0 : index
    %swap3A_6 = arith.constant 0 : index
    %swap3A_7 = vector.load %arg3[%swap3A, %swap3A_6] : memref<2000x256xf32, #tpu.memory_space<vmem>>, vector<2000x256xf32>
    tpu.vector_store %arg3[%swap3A, %swap3A_6], %dot_general3A_5 {strides = array<i32>} : memref<2000x256xf32, #tpu.memory_space<vmem>>, vector<2000x256xf32>,
    return
  }
  func.func @transform_0(%arg0: i32) -> (i32, i32) {
    %c0_i32 = arith.constant 0 : i32
    %c0_i32_0 = arith.constant 0 : i32
    return %arg0, %c0_i32 : i32, i32
  }
  func.func @transform_1(%arg0: i32) -> (i32, i32) {
    %c0_i32 = arith.constant 0 : i32
    %c0_i32_0 = arith.constant 0 : i32
    %c0_i32_1 = arith.constant 0 : i32
    return %c0_i32, %c0_i32_0 : i32, i32
  }
  func.func @transform_2(%arg0: i32) -> (i32, i32) {
    %c0_i32 = arith.constant 0 : i32
    %c0_i32_0 = arith.constant 0 : i32
    return %arg0, %c0_i32 : i32, i32
  }
}

module attributes {stable_mosaic.version = 14 : i64} {
  func.func @_mm2_body(%arg0: i32, %arg1: memref<2000x256xbf16, #tpu.memory_space<vmem>>, %arg2: memref<2000x256xbf16, #tpu.memory_space<vmem>>, %arg3: memref<2000x256xf32, #tpu.memory_space<vmem>>, %arg4: memref<2000x1xf32, #tpu.memory_space<vmem>>, %arg5: memref<2000x1xf32, #tpu.memory_space<vmem>>, %arg6: memref<1x256xf32, #tpu.memory_space<vmem>>, %arg7: memref<256x64xf32, #tpu.memory_space<vmem>>, %arg8: memref<256x64xf32, #tpu.memory_space<vmem>>, %arg9: memref<2000x64xbf16, #tpu.memory_space<vmem>>, %arg10: memref<2000x64xf32, #tpu.memory_space<vmem>>) attributes {dimension_semantics = [#tpu.dimension_semantics<arbitrary>], iteration_bounds = array<i64: 5>, scalar_prefetch = 0 : i64, scratch_operands = 0 : i64, tpu.core_type = #tpu.core_type<tc>, window_params = [{transform_indices = @transform_0, window_bounds = array<i64: 2000, 256>}, {transform_indices = @transform_1, window_bounds = array<i64: 2000, 256>}, {transform_indices = @transform_2, window_bounds = array<i64: 2000, 256>}, {transform_indices = @transform_3, window_bounds = array<i64: 2000, 1>}, {transform_indices = @transform_4, window_bounds = array<i64: 2000, 1>}, {pipeline_mode = #tpu.pipeline_mode<synchronous>, transform_indices = @transform_5, window_bounds = array<i64: 1, 256>}, {pipeline_mode = #tpu.pipeline_mode<synchronous>, transform_indices = @transform_6, window_bounds = array<i64: 256, 64>}, {pipeline_mode = #tpu.pipeline_mode<synchronous>, transform_indices = @transform_7, window_bounds = array<i64: 256, 64>}, {transform_indices = @transform_8, window_bounds = array<i64: 2000, 64>}, {transform_indices = @transform_9, window_bounds = array<i64: 2000, 64>}]} {
    %get3A = arith.constant 0 : index
    %get3A_0 = arith.constant 0 : index
    %get3A_1 = vector.load %arg4[%get3A, %get3A_0] : memref<2000x1xf32, #tpu.memory_space<vmem>>, vector<2000x1xf32>
    %get3A_2 = arith.constant 0 : index
    %get3A_3 = arith.constant 0 : index
    %get3A_4 = vector.load %arg5[%get3A_2, %get3A_3] : memref<2000x1xf32, #tpu.memory_space<vmem>>, vector<2000x1xf32>
    %add3A = arith.addf %get3A_1, %get3A_4 : vector<2000x1xf32>
    %gt3A = arith.constant 0.000000e+00 : f32
    %gt3A_5 = vector.broadcast %gt3A : f32 to vector<2000x1xf32>
    %gt3A_6 = arith.cmpf ogt, %add3A, %gt3A_5 : vector<2000x1xf32>
    %rsqrt3A = math.rsqrt %add3A : vector<2000x1xf32>
    %jit3A = arith.constant 0.000000e+00 : f32
    %broadcast_in_dim3A = vector.broadcast %jit3A : f32 to vector<2000x1xf32>
    %select_n3A = arith.select %gt3A_6, %rsqrt3A, %broadcast_in_dim3A : vector<2000x1xi1>, vector<2000x1xf32>
    %get3A_7 = arith.constant 0 : index
    %get3A_8 = arith.constant 0 : index
    %get3A_9 = vector.load %arg1[%get3A_7, %get3A_8] : memref<2000x256xbf16, #tpu.memory_space<vmem>>, vector<2000x256xbf16>
    %convert_element_type3A = arith.extf %get3A_9 : vector<2000x256xbf16> to vector<2000x256xf32>
    %get3A_10 = arith.constant 0 : index
    %get3A_11 = arith.constant 0 : index
    %get3A_12 = vector.load %arg2[%get3A_10, %get3A_11] : memref<2000x256xbf16, #tpu.memory_space<vmem>>, vector<2000x256xbf16>
    %convert_element_type3A_13 = arith.extf %get3A_12 : vector<2000x256xbf16> to vector<2000x256xf32>
    %add3A_14 = arith.addf %convert_element_type3A, %convert_element_type3A_13 : vector<2000x256xf32>
    %mul3A = vector.broadcast %select_n3A : vector<2000x1xf32> to vector<2000x256xf32>
    %mul3A_15 = arith.mulf %add3A_14, %mul3A : vector<2000x256xf32>
    %get3A_16 = arith.constant 0 : index
    %get3A_17 = arith.constant 0 : index
    %get3A_18 = vector.load %arg3[%get3A_16, %get3A_17] : memref<2000x256xf32, #tpu.memory_space<vmem>>, vector<2000x256xf32>
    %add3A_19 = arith.addf %mul3A_15, %get3A_18 : vector<2000x256xf32>
    %get3A_20 = arith.constant 0 : index
    %get3A_21 = arith.constant 0 : index
    %get3A_22 = vector.load %arg6[%get3A_20, %get3A_21] : memref<1x256xf32, #tpu.memory_space<vmem>>, vector<1x256xf32>
    %add3A_23 = vector.broadcast %get3A_22 : vector<1x256xf32> to vector<2000x256xf32>
    %add3A_24 = arith.addf %add3A_19, %add3A_23 : vector<2000x256xf32>
    %max3A = arith.constant 0.000000e+00 : f32
    %max3A_25 = vector.broadcast %max3A : f32 to vector<2000x256xf32>
    %max3A_26 = arith.maximumf %add3A_24, %max3A_25 : vector<2000x256xf32>
    %get3A_27 = arith.constant 0 : index
    %get3A_28 = arith.constant 0 : index
    %get3A_29 = vector.load %arg7[%get3A_27, %get3A_28] : memref<256x64xf32, #tpu.memory_space<vmem>>, vector<256x64xf32>
    %dot_general3A = arith.constant dense<0.000000e+00> : vector<2000x64xf32>
    %dot_general3A_30 = tpu.matmul %max3A_26, %get3A_29, %dot_general3A {dimension_numbers = #tpu.dot_dimension_numbers<[1], [0], [0], [1], [0, 0, 1, 1], [], []>, transpose_lhs_hint = false} : vector<2000x256xf32>, vector<256x64xf32>, vector<2000x64xf32> -> vector<2000x64xf32>
    %mul3A_31 = vector.broadcast %select_n3A : vector<2000x1xf32> to vector<2000x64xf32>
    %mul3A_32 = arith.mulf %dot_general3A_30, %mul3A_31 : vector<2000x64xf32>
    %convert_element_type3A_33 = arith.truncf %mul3A_32 : vector<2000x64xf32> to vector<2000x64xbf16>
    %swap3A = arith.constant 0 : index
    %swap3A_34 = arith.constant 0 : index
    %swap3A_35 = vector.load %arg9[%swap3A, %swap3A_34] : memref<2000x64xbf16, #tpu.memory_space<vmem>>, vector<2000x64xbf16>
    tpu.vector_store %arg9[%swap3A, %swap3A_34], %convert_element_type3A_33 {strides = array<i32>} : memref<2000x64xbf16, #tpu.memory_space<vmem>>, vector<2000x64xbf16>,
    %get3A_36 = arith.constant 0 : index
    %get3A_37 = arith.constant 0 : index
    %get3A_38 = vector.load %arg8[%get3A_36, %get3A_37] : memref<256x64xf32, #tpu.memory_space<vmem>>, vector<256x64xf32>
    %dot_general3A_39 = arith.constant dense<0.000000e+00> : vector<2000x64xf32>
    %dot_general3A_40 = tpu.matmul %max3A_26, %get3A_38, %dot_general3A_39 {dimension_numbers = #tpu.dot_dimension_numbers<[1], [0], [0], [1], [0, 0, 1, 1], [], []>, transpose_lhs_hint = false} : vector<2000x256xf32>, vector<256x64xf32>, vector<2000x64xf32> -> vector<2000x64xf32>
    %swap3A_41 = arith.constant 0 : index
    %swap3A_42 = arith.constant 0 : index
    %swap3A_43 = vector.load %arg10[%swap3A_41, %swap3A_42] : memref<2000x64xf32, #tpu.memory_space<vmem>>, vector<2000x64xf32>
    tpu.vector_store %arg10[%swap3A_41, %swap3A_42], %dot_general3A_40 {strides = array<i32>} : memref<2000x64xf32, #tpu.memory_space<vmem>>, vector<2000x64xf32>,
    return
  }
  func.func @transform_0(%arg0: i32) -> (i32, i32) {
    %c0_i32 = arith.constant 0 : i32
    %c0_i32_0 = arith.constant 0 : i32
    return %arg0, %c0_i32 : i32, i32
  }
  func.func @transform_1(%arg0: i32) -> (i32, i32) {
    %c0_i32 = arith.constant 0 : i32
    %c0_i32_0 = arith.constant 0 : i32
    return %arg0, %c0_i32 : i32, i32
  }
  func.func @transform_2(%arg0: i32) -> (i32, i32) {
    %c0_i32 = arith.constant 0 : i32
    %c0_i32_0 = arith.constant 0 : i32
    return %arg0, %c0_i32 : i32, i32
  }
  func.func @transform_3(%arg0: i32) -> (i32, i32) {
    %c0_i32 = arith.constant 0 : i32
    %c0_i32_0 = arith.constant 0 : i32
    return %arg0, %c0_i32 : i32, i32
  }
  func.func @transform_4(%arg0: i32) -> (i32, i32) {
    %c0_i32 = arith.constant 0 : i32
    %c0_i32_0 = arith.constant 0 : i32
    return %arg0, %c0_i32 : i32, i32
  }
  func.func @transform_5(%arg0: i32) -> (i32, i32) {
    %c0_i32 = arith.constant 0 : i32
    %c0_i32_0 = arith.constant 0 : i32
    %c0_i32_1 = arith.constant 0 : i32
    return %c0_i32, %c0_i32_0 : i32, i32
  }
  func.func @transform_6(%arg0: i32) -> (i32, i32) {
    %c0_i32 = arith.constant 0 : i32
    %c0_i32_0 = arith.constant 0 : i32
    %c0_i32_1 = arith.constant 0 : i32
    return %c0_i32, %c0_i32_0 : i32, i32
  }
  func.func @transform_7(%arg0: i32) -> (i32, i32) {
    %c0_i32 = arith.constant 0 : i32
    %c0_i32_0 = arith.constant 0 : i32
    %c0_i32_1 = arith.constant 0 : i32
    return %c0_i32, %c0_i32_0 : i32, i32
  }
  func.func @transform_8(%arg0: i32) -> (i32, i32) {
    %c0_i32 = arith.constant 0 : i32
    %c0_i32_0 = arith.constant 0 : i32
    return %arg0, %c0_i32 : i32, i32
  }
  func.func @transform_9(%arg0: i32) -> (i32, i32) {
    %c0_i32 = arith.constant 0 : i32
    %c0_i32_0 = arith.constant 0 : i32
    return %arg0, %c0_i32 : i32, i32
  }
}

module attributes {stable_mosaic.version = 14 : i64} {
  func.func @_final_body(%arg0: i32, %arg1: memref<2000x64xbf16, #tpu.memory_space<vmem>>, %arg2: memref<2000x64xbf16, #tpu.memory_space<vmem>>, %arg3: memref<2000x64xf32, #tpu.memory_space<vmem>>, %arg4: memref<2000x1xf32, #tpu.memory_space<vmem>>, %arg5: memref<2000x1xf32, #tpu.memory_space<vmem>>, %arg6: memref<1x64xf32, #tpu.memory_space<vmem>>, %arg7: memref<1x1x2000xi32, #tpu.memory_space<vmem>>, %arg8: memref<64x128xf32, #tpu.memory_space<vmem>>, %arg9: memref<1x128xf32, #tpu.memory_space<vmem>>, %arg10: memref<128x128xf32, #tpu.memory_space<vmem>>, %arg11: memref<128x64xf32, #tpu.memory_space<vmem>>, %arg12: memref<128x1xf32, #tpu.memory_space<vmem>>) attributes {dimension_semantics = [#tpu.dimension_semantics<arbitrary>], iteration_bounds = array<i64: 5>, scalar_prefetch = 0 : i64, scratch_operands = 2 : i64, tpu.core_type = #tpu.core_type<tc>, window_params = [{transform_indices = @transform_0, window_bounds = array<i64: 2000, 64>}, {transform_indices = @transform_1, window_bounds = array<i64: 2000, 64>}, {transform_indices = @transform_2, window_bounds = array<i64: 2000, 64>}, {transform_indices = @transform_3, window_bounds = array<i64: 2000, 1>}, {transform_indices = @transform_4, window_bounds = array<i64: 2000, 1>}, {pipeline_mode = #tpu.pipeline_mode<synchronous>, transform_indices = @transform_5, window_bounds = array<i64: 1, 64>}, {transform_indices = @transform_6, window_bounds = array<i64: 1, 1, 2000>}, {pipeline_mode = #tpu.pipeline_mode<synchronous>, transform_indices = @transform_7, window_bounds = array<i64: 64, 128>}, {pipeline_mode = #tpu.pipeline_mode<synchronous>, transform_indices = @transform_8, window_bounds = array<i64: 1, 128>}, {pipeline_mode = #tpu.pipeline_mode<synchronous>, transform_indices = @transform_9, window_bounds = array<i64: 128, 128>}]} {
    %eq3A = arith.constant 0 : i32
    %eq3A_0 = arith.cmpi eq, %arg0, %eq3A : i32
    %convert_element_type3A = arith.extui %eq3A_0 : i1 to i32
    %cond3A = arith.constant 0 : i32
    %cond3A_1 = arith.cmpi ne, %convert_element_type3A, %cond3A : i32
    scf.if %cond3A_1 {
      %broadcast_in_dim3A_60 = arith.constant 0.000000e+00 : f32
      %broadcast_in_dim3A_61 = vector.broadcast %broadcast_in_dim3A_60 : f32 to vector<128x64xf32>
      %swap3A_62 = arith.constant 0 : index
      %swap3A_63 = arith.constant 0 : index
      %swap3A_64 = vector.load %arg11[%swap3A_62, %swap3A_63] : memref<128x64xf32, #tpu.memory_space<vmem>>, vector<128x64xf32>
      tpu.vector_store %arg11[%swap3A_62, %swap3A_63], %broadcast_in_dim3A_61 {strides = array<i32>} : memref<128x64xf32, #tpu.memory_space<vmem>>, vector<128x64xf32>,
      %broadcast_in_dim3A_65 = arith.constant 0.000000e+00 : f32
      %broadcast_in_dim3A_66 = vector.broadcast %broadcast_in_dim3A_65 : f32 to vector<128x1xf32>
      %swap3A_67 = arith.constant 0 : index
      %swap3A_68 = arith.constant 0 : index
      %swap3A_69 = vector.load %arg12[%swap3A_67, %swap3A_68] : memref<128x1xf32, #tpu.memory_space<vmem>>, vector<128x1xf32>
      tpu.vector_store %arg12[%swap3A_67, %swap3A_68], %broadcast_in_dim3A_66 {strides = array<i32>} : memref<128x1xf32, #tpu.memory_space<vmem>>, vector<128x1xf32>,
    } else {
    }
    %get3A = arith.constant 0 : index
    %get3A_2 = arith.constant 0 : index
    %get3A_3 = vector.load %arg4[%get3A, %get3A_2] : memref<2000x1xf32, #tpu.memory_space<vmem>>, vector<2000x1xf32>
    %get3A_4 = arith.constant 0 : index
    %get3A_5 = arith.constant 0 : index
    %get3A_6 = vector.load %arg5[%get3A_4, %get3A_5] : memref<2000x1xf32, #tpu.memory_space<vmem>>, vector<2000x1xf32>
    %add3A = arith.addf %get3A_3, %get3A_6 : vector<2000x1xf32>
    %gt3A = arith.constant 0.000000e+00 : f32
    %gt3A_7 = vector.broadcast %gt3A : f32 to vector<2000x1xf32>
    %gt3A_8 = arith.cmpf ogt, %add3A, %gt3A_7 : vector<2000x1xf32>
    %rsqrt3A = math.rsqrt %add3A : vector<2000x1xf32>
    %jit3A = arith.constant 0.000000e+00 : f32
    %broadcast_in_dim3A = vector.broadcast %jit3A : f32 to vector<2000x1xf32>
    %select_n3A = arith.select %gt3A_8, %rsqrt3A, %broadcast_in_dim3A : vector<2000x1xi1>, vector<2000x1xf32>
    %get3A_9 = arith.constant 0 : index
    %get3A_10 = arith.constant 0 : index
    %get3A_11 = vector.load %arg1[%get3A_9, %get3A_10] : memref<2000x64xbf16, #tpu.memory_space<vmem>>, vector<2000x64xbf16>
    %convert_element_type3A_12 = arith.extf %get3A_11 : vector<2000x64xbf16> to vector<2000x64xf32>
    %get3A_13 = arith.constant 0 : index
    %get3A_14 = arith.constant 0 : index
    %get3A_15 = vector.load %arg2[%get3A_13, %get3A_14] : memref<2000x64xbf16, #tpu.memory_space<vmem>>, vector<2000x64xbf16>
    %convert_element_type3A_16 = arith.extf %get3A_15 : vector<2000x64xbf16> to vector<2000x64xf32>
    %add3A_17 = arith.addf %convert_element_type3A_12, %convert_element_type3A_16 : vector<2000x64xf32>
    %mul3A = vector.broadcast %select_n3A : vector<2000x1xf32> to vector<2000x64xf32>
    %mul3A_18 = arith.mulf %add3A_17, %mul3A : vector<2000x64xf32>
    %get3A_19 = arith.constant 0 : index
    %get3A_20 = arith.constant 0 : index
    %get3A_21 = vector.load %arg3[%get3A_19, %get3A_20] : memref<2000x64xf32, #tpu.memory_space<vmem>>, vector<2000x64xf32>
    %add3A_22 = arith.addf %mul3A_18, %get3A_21 : vector<2000x64xf32>
    %get3A_23 = arith.constant 0 : index
    %get3A_24 = arith.constant 0 : index
    %get3A_25 = vector.load %arg6[%get3A_23, %get3A_24] : memref<1x64xf32, #tpu.memory_space<vmem>>, vector<1x64xf32>
    %add3A_26 = vector.broadcast %get3A_25 : vector<1x64xf32> to vector<2000x64xf32>
    %add3A_27 = arith.addf %add3A_22, %add3A_26 : vector<2000x64xf32>
    %max3A = arith.constant 0.000000e+00 : f32
    %max3A_28 = vector.broadcast %max3A : f32 to vector<2000x64xf32>
    %max3A_29 = arith.maximumf %add3A_27, %max3A_28 : vector<2000x64xf32>
    %get3A_30 = arith.constant 0 : index
    %get3A_31 = arith.constant 0 : index
    %get3A_32 = arith.constant 0 : index
    %get3A_33 = vector.load %arg7[%get3A_30, %get3A_31, %get3A_32] : memref<1x1x2000xi32, #tpu.memory_space<vmem>>, vector<1x1x2000xi32>
    %get3A_34 = vector.shape_cast %get3A_33 : vector<1x1x2000xi32> to vector<1x2000xi32>
    %iota3A = tpu.iota {dimensions = array<i32: 0>} : vector<128x2000xi32>
    %eq3A_35 = vector.broadcast %get3A_34 : vector<1x2000xi32> to vector<128x2000xi32>
    %eq3A_36 = arith.cmpi eq, %iota3A, %eq3A_35 : vector<128x2000xi32>
    %convert_element_type3A_37 = arith.extui %eq3A_36 : vector<128x2000xi1> to vector<128x2000xi32>
    %convert_element_type3A_38 = arith.sitofp %convert_element_type3A_37 : vector<128x2000xi32> to vector<128x2000xf32>
    %get3A_39 = arith.constant 0 : index
    %get3A_40 = arith.constant 0 : index
    %get3A_41 = vector.load %arg11[%get3A_39, %get3A_40] : memref<128x64xf32, #tpu.memory_space<vmem>>, vector<128x64xf32>
    %dot_general3A = arith.constant dense<0.000000e+00> : vector<128x64xf32>
    %dot_general3A_42 = tpu.matmul %convert_element_type3A_38, %max3A_29, %dot_general3A {dimension_numbers = #tpu.dot_dimension_numbers<[1], [0], [0], [1], [0, 0, 1, 1], [], []>, transpose_lhs_hint = false} : vector<128x2000xf32>, vector<2000x64xf32>, vector<128x64xf32> -> vector<128x64xf32>
    %add3A_43 = arith.addf %get3A_41, %dot_general3A_42 : vector<128x64xf32>
    %swap3A = arith.constant 0 : index
    %swap3A_44 = arith.constant 0 : index
    %swap3A_45 = vector.load %arg11[%swap3A, %swap3A_44] : memref<128x64xf32, #tpu.memory_space<vmem>>, vector<128x64xf32>
    tpu.vector_store %arg11[%swap3A, %swap3A_44], %add3A_43 {strides = array<i32>} : memref<128x64xf32, #tpu.memory_space<vmem>>, vector<128x64xf32>,
    %get3A_46 = arith.constant 0 : index
    %get3A_47 = arith.constant 0 : index
    %get3A_48 = vector.load %arg12[%get3A_46, %get3A_47] : memref<128x1xf32, #tpu.memory_space<vmem>>, vector<128x1xf32>
    %reduce_sum3A = arith.constant dense<0.000000e+00> : vector<128xf32>
    %reduce_sum3A_49 = vector.multi_reduction <add>, %convert_element_type3A_38, %reduce_sum3A [1] : vector<128x2000xf32> to vector<128xf32>
    %broadcast_in_dim3A_50 = vector.shape_cast %reduce_sum3A_49 : vector<128xf32> to vector<128x1xf32>
    %add3A_51 = arith.addf %get3A_48, %broadcast_in_dim3A_50 : vector<128x1xf32>
    %swap3A_52 = arith.constant 0 : index
    %swap3A_53 = arith.constant 0 : index
    %swap3A_54 = vector.load %arg12[%swap3A_52, %swap3A_53] : memref<128x1xf32, #tpu.memory_space<vmem>>, vector<128x1xf32>
    tpu.vector_store %arg12[%swap3A_52, %swap3A_53], %add3A_51 {strides = array<i32>} : memref<128x1xf32, #tpu.memory_space<vmem>>, vector<128x1xf32>,
    %eq3A_55 = arith.constant 4 : i32
    %eq3A_56 = arith.cmpi eq, %arg0, %eq3A_55 : i32
    %convert_element_type3A_57 = arith.extui %eq3A_56 : i1 to i32
    %cond3A_58 = arith.constant 0 : i32
    %cond3A_59 = arith.cmpi ne, %convert_element_type3A_57, %cond3A_58 : i32
    scf.if %cond3A_59 {
      %get3A_60 = arith.constant 0 : index
      %get3A_61 = arith.constant 0 : index
      %get3A_62 = vector.load %arg11[%get3A_60, %get3A_61] : memref<128x64xf32, #tpu.memory_space<vmem>>, vector<128x64xf32>
      %get3A_63 = arith.constant 0 : index
      %get3A_64 = arith.constant 0 : index
      %get3A_65 = vector.load %arg12[%get3A_63, %get3A_64] : memref<128x1xf32, #tpu.memory_space<vmem>>, vector<128x1xf32>
      %max3A_66 = arith.constant 1.000000e+00 : f32
      %max3A_67 = vector.broadcast %max3A_66 : f32 to vector<128x1xf32>
      %max3A_68 = arith.maximumf %get3A_65, %max3A_67 : vector<128x1xf32>
      %div3A = vector.broadcast %max3A_68 : vector<128x1xf32> to vector<128x64xf32>
      %div3A_69 = arith.divf %get3A_62, %div3A : vector<128x64xf32>
      %get3A_70 = arith.constant 0 : index
      %get3A_71 = arith.constant 0 : index
      %get3A_72 = vector.load %arg8[%get3A_70, %get3A_71] : memref<64x128xf32, #tpu.memory_space<vmem>>, vector<64x128xf32>
      %dot_general3A_73 = arith.constant dense<0.000000e+00> : vector<128x128xf32>
      %dot_general3A_74 = tpu.matmul %div3A_69, %get3A_72, %dot_general3A_73 {dimension_numbers = #tpu.dot_dimension_numbers<[1], [0], [0], [1], [0, 0, 1, 1], [], []>, transpose_lhs_hint = false} : vector<128x64xf32>, vector<64x128xf32>, vector<128x128xf32> -> vector<128x128xf32>
      %get3A_75 = arith.constant 0 : index
      %get3A_76 = arith.constant 0 : index
      %get3A_77 = vector.load %arg9[%get3A_75, %get3A_76] : memref<1x128xf32, #tpu.memory_space<vmem>>, vector<1x128xf32>
      %add3A_78 = vector.broadcast %get3A_77 : vector<1x128xf32> to vector<128x128xf32>
      %add3A_79 = arith.addf %dot_general3A_74, %add3A_78 : vector<128x128xf32>
      %swap3A_80 = arith.constant 0 : index
      %swap3A_81 = arith.constant 0 : index
      %swap3A_82 = vector.load %arg10[%swap3A_80, %swap3A_81] : memref<128x128xf32, #tpu.memory_space<vmem>>, vector<128x128xf32>
      tpu.vector_store %arg10[%swap3A_80, %swap3A_81], %add3A_79 {strides = array<i32>} : memref<128x128xf32, #tpu.memory_space<vmem>>, vector<128x128xf32>,
    } else {
    }
    return
  }
  func.func @transform_0(%arg0: i32) -> (i32, i32) {
    %c0_i32 = arith.constant 0 : i32
    %c0_i32_0 = arith.constant 0 : i32
    return %arg0, %c0_i32 : i32, i32
  }
  func.func @transform_1(%arg0: i32) -> (i32, i32) {
    %c0_i32 = arith.constant 0 : i32
    %c0_i32_0 = arith.constant 0 : i32
    return %arg0, %c0_i32 : i32, i32
  }
  func.func @transform_2(%arg0: i32) -> (i32, i32) {
    %c0_i32 = arith.constant 0 : i32
    %c0_i32_0 = arith.constant 0 : i32
    return %arg0, %c0_i32 : i32, i32
  }
  func.func @transform_3(%arg0: i32) -> (i32, i32) {
    %c0_i32 = arith.constant 0 : i32
    %c0_i32_0 = arith.constant 0 : i32
    return %arg0, %c0_i32 : i32, i32
  }
  func.func @transform_4(%arg0: i32) -> (i32, i32) {
    %c0_i32 = arith.constant 0 : i32
    %c0_i32_0 = arith.constant 0 : i32
    return %arg0, %c0_i32 : i32, i32
  }
  func.func @transform_5(%arg0: i32) -> (i32, i32) {
    %c0_i32 = arith.constant 0 : i32
    %c0_i32_0 = arith.constant 0 : i32
    %c0_i32_1 = arith.constant 0 : i32
    return %c0_i32, %c0_i32_0 : i32, i32
  }
  func.func @transform_6(%arg0: i32) -> (i32, i32, i32) {
    %c0_i32 = arith.constant 0 : i32
    %c0_i32_0 = arith.constant 0 : i32
    %c0_i32_1 = arith.constant 0 : i32
    return %arg0, %c0_i32, %c0_i32_0 : i32, i32, i32
  }
  func.func @transform_7(%arg0: i32) -> (i32, i32) {
    %c0_i32 = arith.constant 0 : i32
    %c0_i32_0 = arith.constant 0 : i32
    %c0_i32_1 = arith.constant 0 : i32
    return %c0_i32, %c0_i32_0 : i32, i32
  }
  func.func @transform_8(%arg0: i32) -> (i32, i32) {
    %c0_i32 = arith.constant 0 : i32
    %c0_i32_0 = arith.constant 0 : i32
    %c0_i32_1 = arith.constant 0 : i32
    return %c0_i32, %c0_i32_0 : i32, i32
  }
  func.func @transform_9(%arg0: i32) -> (i32, i32) {
    %c0_i32 = arith.constant 0 : i32
    %c0_i32_0 = arith.constant 0 : i32
    %c0_i32_1 = arith.constant 0 : i32
    return %c0_i32, %c0_i32_0 : i32, i32
  }
}

</mosaic_0001>

<sc_bundles>
// kernel: kernel.12.cloned.1.call-start
scs
__scs_entry_jumppad:
0x0: {  	(pc) =	sbr.rel $0x88, $3  }
0x1: {  	(tag) =	ssettag $0x0;
	lr =	simm.s32 $0x1  }
0x2: {  	[smem:$0x3F96] =	sst lr;
	_ =	strace $0xD0000000  }
0x3: {  	_ = 	snop  }
0x4: {  	_ = 	snop  }
0x5: {  	_ = 	snop  }
0x6: {  	_ = 	snop  }
0x7: {  	_ = 	snop  }
__scs_overlays_trampoline_lowered:
0x8: {  	[smem:$0x3FA5] =	sst s0  }
0x9: {  	[smem:$0x3FA6] =	sst s1  }
0xa: {  	[smem:$0x3FA7] =	sst s2  }
0xb: {  	[smem:$0x3FA8] =	sst s3  }
0xc: {  	[smem:$0x3FA9] =	sst s4  }
0xd: {  	[smem:$0x3FAA] =	sst s5  }
0xe: {  	[smem:$0x3FAB] =	sst s6  }
0xf: {  	[smem:$0x3FAC] =	sst s7  }
0x10: {  	[smem:$0x3FAD] =	sst s8  }
0x11: {  	[smem:$0x3FAE] =	sst s9;
	s0 =	simm.s32 @!p0 $0x0  }
0x12: {  	s1 =	sld [smem:$0x3F94];
	s0 =	simm.s32 @p0 $0x1  }
0x13: {  	[smem:$0x3FAF] =	sst s0;
	s0 =	simm.s32 @!p1 $0x0  }
0x14: {  	s2 =	sld [smem:$0x3F93];
	s0 =	simm.s32 @p1 $0x1  }
0x15: {  	[smem:$0x3FB0] =	sst s0;
	s0 =	simm.s32 @!p2 $0x0  }
0x16: {  	s3 =	sld [smem:$0x3FDB];
	s0 =	simm.s32 @p2 $0x1  }
0x17: {  	s4 =	simm.s32 $0x1BF5;
	[smem:$0x3FB2] =	sst s0  }
0x18: {  	s0 =	sld [smem:$0x3F95];
	_ =	swait.ge [sflag:s4], $0x0  }
0x19: {  	s7 =	sld [smem:$0x3F96]  }
0x1a: {  	s8 =	sadd.s32 $0xFFFFE003, lr  }
0x1b: {  	s9 =	sadd.s32 $0xFFFFFEF7, lr;
	s5 =	simm.s32 $0xFFFFFFFF;
	p2 =	slt.u32 s8, $0xFFFFF086  }
0x1c: {  	p1 =	slt.u32 s9, $0xF7A;
	s5 =	simm.s32 @!p2 $0x0  }
0x1d: {  	s5 =	simm.s32 @p1 $0x1;
	p0 =	seq.s32 s7, s2  }
0x1e: {  	s7 =	smul.u32 @!p0 $0xF7A, s2;
	p2 =	seq.s32 @!p0 s5, $0x0  }
0x1f: {  	s9 =	smul.u32 $0xF7A, s1;
	s8 =	simm.s32 @!p0 $0x1BF5;
	p2 =	por !p2, p0  }
0x20: {  	[sflag:s8] =	ssyncset.s32 @!p0 $0xFFFFF086;
	s6 =	sadd.s32 @!p0 s3, s7;
	s7 =	simm.s32 @!p0 $0x108  }
0x21: {  	s3 =	sadd.s32 s3, s9;
	s6 =	sadd.s32 @!p0 $0x88, s6;
	s7 =	simm.s32 @p2 $0x1082  }
0x22: {  	[simem:s7], [sflag:s8] =	dma.local @!p0 [hbm:s6], $0xF7A  }
0x23: {  	s9 =	sor.u32 $0xD0000000, s2;
	s6 =	simm.s32 $0x108;
	_ =	swait.ge @!p0 [sflag:s8], $0x0  }
0x24: {  	s3 =	sadd.s32 $0x88, s3;
	s6 =	simm.s32 @!p1 $0x1082;
	[sflag:s4] =	ssyncset.s32 $0xFFFFF086  }
0x25: {  	[simem:s6], [sflag:s4] =	dma.local [hbm:s3], $0xF7A  }
0x26: {  	[smem:$0x3F96] =	sst s1;
	(tag) =	ssettag s2;
	_ =	strace s9  }
0x27: {  	s1 =	sld [smem:$0x3FA6]  }
0x28: {  	s2 =	sld [smem:$0x3FA7]  }
0x29: {  	s4 =	sld [smem:$0x3FA9]  }
0x2a: {  	p0 =	seq.s32 s5, $0x0;
	s5 =	sld [smem:$0x3FAA]  }
0x2b: {  	s6 =	sld [smem:$0x3FAB]  }
0x2c: {  	s7 =	sld [smem:$0x3FAC]  }
0x2d: {  	s3 =	simm.s32 $0x108;
	s8 =	sld [smem:$0x3FAD]  }
0x2e: {  	s3 =	simm.s32 @!p0 $0x1082;
	s9 =	sld [smem:$0x3FAE]  }
0x2f: {  	lr =	sadd.s32 s0, s3;
	s0 =	sld [smem:$0x3FA5]  }
0x30: {  	s3 =	sld [smem:$0x3FA8]  }
0x31: {  	[smem:$0x3FB1] =	sst s10  }
0x32: {  	s10 =	sld [smem:$0x3FAF];
	_ =	sdelay $0x3  }
0x33: {  	p0 =	seq.s32 s10, $0x1;
	s10 =	sld [smem:$0x3FB1];
	_ =	sdelay $0x3  }
0x34: {  	[smem:$0x3FB1] =	sst s10  }
0x35: {  	s10 =	sld [smem:$0x3FB0];
	_ =	sdelay $0x3  }
0x36: {  	p1 =	seq.s32 s10, $0x1;
	s10 =	sld [smem:$0x3FB1];
	_ =	sdelay $0x3  }
0x37: {  	[smem:$0x3FB1] =	sst s10  }
0x38: {  	s10 =	sld [smem:$0x3FB2]  }
0x39: {  	_ = 	snop;
	(pc) =	sbr.ind lr, $3  }
0x3a: {  	_ = 	snop  }
0x3b: {  	_ = 	snop  }
0x3c: {  	p2 =	seq.s32 s10, $0x1;
	s10 =	sld [smem:$0x3FB1]  }
0x3d: {  	_ =	shalt  }
0x3e: {  	_ =	shalt  }
0x3f: {  	_ =	shalt  }
0x40: {  	_ =	shalt  }
0x41: {  	_ =	shalt  }
0x42: {  	_ =	shalt  }
0x43: {  	_ =	shalt  }
0x44: {  	_ =	shalt  }
0x45: {  	_ =	shalt  }
0x46: {  	_ =	shalt  }
0x47: {  	_ =	shalt  }
0x48: {  	_ =	shalt  }
0x49: {  	_ =	shalt  }
0x4a: {  	_ =	shalt  }
0x4b: {  	_ =	shalt  }
0x4c: {  	_ =	shalt  }
0x4d: {  	_ =	shalt  }
0x4e: {  	_ =	shalt  }
0x4f: {  	_ =	shalt  }
0x50: {  	_ =	shalt  }
0x51: {  	_ =	shalt  }
0x52: {  	_ =	shalt  }
0x53: {  	_ =	shalt  }
0x54: {  	_ =	shalt  }
0x55: {  	_ =	shalt  }
0x56: {  	_ =	shalt  }
0x57: {  	_ =	shalt  }
0x58: {  	_ =	shalt  }
0x59: {  	_ =	shalt  }
0x5a: {  	_ =	shalt  }
0x5b: {  	_ =	shalt  }
0x5c: {  	_ =	shalt  }
0x5d: {  	_ =	shalt  }
0x5e: {  	_ =	shalt  }
0x5f: {  	_ =	shalt  }
0x60: {  	_ =	shalt  }
0x61: {  	_ =	shalt  }
0x62: {  	_ =	shalt  }
0x63: {  	_ =	shalt  }
0x64: {  	_ =	shalt  }
0x65: {  	_ =	shalt  }
0x66: {  	_ =	shalt  }
0x67: {  	_ =	shalt  }
0x68: {  	_ =	shalt  }
0x69: {  	_ =	shalt  }
0x6a: {  	_ =	shalt  }
0x6b: {  	_ =	shalt  }
0x6c: {  	_ =	shalt  }
0x6d: {  	_ =	shalt  }
0x6e: {  	_ =	shalt  }
0x6f: {  	_ =	shalt  }
0x70: {  	_ =	shalt  }
0x71: {  	_ =	shalt  }
0x72: {  	_ =	shalt  }
0x73: {  	_ =	shalt  }
0x74: {  	_ =	shalt  }
0x75: {  	_ =	shalt  }
0x76: {  	_ =	shalt  }
0x77: {  	_ =	shalt  }
0x78: {  	_ =	shalt  }
0x79: {  	_ =	shalt  }
0x7a: {  	_ =	shalt  }
0x7b: {  	_ =	shalt  }
0x7c: {  	_ =	shalt  }
0x7d: {  	_ =	shalt  }
0x7e: {  	_ =	shalt  }
0x7f: {  	_ =	shalt  }
0x80: {  	_ =	shalt  }
0x81: {  	_ =	shalt  }
0x82: {  	_ =	shalt  }
0x83: {  	_ =	shalt  }
0x84: {  	_ =	shalt  }
0x85: {  	_ =	shalt  }
0x86: {  	_ =	shalt  }
0x87: {  	_ =	shalt  }
.Lfunc_end0:
.L_simem_size_0:
called_computation.1_lowered:
.L_overlay_start_0:
0x88: {  	s2 =	sld [smem:$0x3FD9]  }
0x89: {  	s3 =	sld [smem:$0x3FFE];
	_ =	sdelay $0x1  }
0x8a: {  	s1 =	srdreg.scid  }
0x8b: {  	s0 =	sand.u32 $0x1, s1  }
0x8c: {  	s16 =	sshll.u32 s0, $0xA;
	s2 =	sadd.s32 s3, s2  }
0x8d: {  	s2 =	sadd.s32 s2, s16  }
0x8e: {  	[smem:$0x3FBD] =	sst s2  }
0x8f: {  	_ = 	snop  }
0x90: {  	(tm) =	ssettm $0x1  }
0x91: {  	s17 =	sld [smem:$0x3FFB];
	_ =	sdelay $0x3  }
0x92: {  	_ =	strace s17  }
0x93: {  	s2 =	sld [smem:$0x3FFC];
	_ =	sdelay $0x3  }
0x94: {  	_ =	strace s2  }
0x95: {  	s2 =	sld [smem:$0x3FFD];
	_ =	sdelay $0x3  }
0x96: {  	_ =	strace s2  }
0x97: {  	_ =	strace $0x8FFFFFFF  }
0x98: {  	s18 =	sld [smem:$0x3FDB];
	_ =	sdelay $0x1  }
0x99: {  	s19 =	simm.s32 $_scs_section_size  }
0x9a: {  	s4 =	simm.s32 $_size__tile_overlayer_lowered;
	s5 =	simm.s32 $_tile_overlayer_lowered  }
0x9b: {  	s22 =	simm.s32 $0x1BFF;
	s21 =	sshll.u32 s5, $0x1;
	s2 =	sadd.s32 s19, s18  }
0x9c: {  	s6 =	simm.s32 $0x0;
	s20 =	sshll.u32 s4, $0x1;
	s4 =	sadd.s32 s21, s2  }
0x9d: {  	[timem:s6], [sflag:s22] =	dma.local [hbm:s4], s20  }
0x9e: {  	_ =	swait.ge [sflag:s22], s20  }
0x9f: {  	s3 =	ssub.s32 $0x0, s20;
	[sflag:s22] =	ssyncset.done $0x0  }
0xa0: {  	[sflag:s22] =	ssyncadd.s32 s3;
	_ =	sdelay $0x1  }
0xa1: {  	s23 =	simm.s32 $0x1B8B  }
0xa2: {  	_ =	swait.ge [sflag:s23], $0x1  }
0xa3: {  	[sflag:s23] =	ssyncset.done $0x0  }
0xa4: {  	s25 =	simm.s32 $0x1B8E;
	s24 =	sld [smem:$0x3FFE];
	[sflag:s23] =	ssyncadd.s32 $0xFFFFFFFF  }
0xa5: {  	s26 =	simm.s32 $execute0_lowered;
	[smem:$0x3FD2] =	sst s25  }
0xa6: {  	s4 =	sshll.u32 s26, $0x1;
	_ =	strace $0x80000049;
	[dreg:$0x1] =	wrdreg $0xFFFFFFFF  }
0xa7: {  	s28 =	simm.s32 $_size_execute0_lowered;
	s2 =	sadd.s32 s2, s4;
	[dreg:$0x0] =	wrdreg $0x0  }
0xa8: {  	s4 =	sshll.u32 s28, $0x1;
	[dreg:$0x2] =	wrdreg s2  }
0xa9: {  	[dreg:$0x3] =	wrdreg s4  }
0xaa: {  	[dreg:$0x4] =	wrdreg $0xC0  }
0xab: {  	_ =	task [dreg:s6], $0x5FFFF  }
0xac: {  	[dreg:$0x1] =	wrdreg $0xFFFFFFFF  }
0xad: {  	[dreg:$0x0] =	wrdreg $0x60  }
0xae: {  	[dreg:$0x2] =	wrdreg s24  }
0xaf: {  	[dreg:$0x3] =	wrdreg $0x28000  }
0xb0: {  	[dreg:$0x4] =	wrdreg $0x9  }
0xb1: {  	_ =	task.clear_ibuf [dreg:s6], $0x5FFFF;
	_ =	strace $0x90000049  }
0xb2: {  	s29 =	simm.s32 $0x9;
	_ =	strace $0x8000004B  }
0xb3: {  	_ =	swait.ge [sflag:s29], $0x1  }
0xb4: {  	[sflag:s29] =	ssyncadd.s32 $0xFFFFFFFF  }
0xb5: {  	_ =	strace $0x9000004B  }
0xb6: {  	_ =	sfence  }
0xb7: {  	s30 =	sld [smem:$0x0];
	_ =	sdelay $0x2  }
0xb8: {  	s31 =	sshll.u32 s1, $0xD;
	s1 =	sshrl.u32 s1, $0x2  }
0xb9: {  	s3 =	sand.u32 $0x4000, s31;
	s1 =	sadd.s32 s1, s30  }
0xba: {  	s0 =	sor.u32 s3, s0;
	s1 =	sshll.u32 s1, $0x11  }
0xbb: {  	s0 =	sor.u32 s1, s0  }
0xbc: {  	s0 =	sadd.s32 $0x8F2B, s0  }
0xbd: {  	[sflag:s0] =	ssyncadd.remote.s32 $0x1  }
0xbe: {  	_ =	sfence.sel $0xFFFF  }
0xbf: {  	[dreg:$0x0] =	wrdreg $0xFFFFFFFF;
	(pc) =	sbr.abs _section_cstart, $3  }
0xc0: {  	[dreg:$0x1] =	wrdreg $0xFFFFFFFF  }
0xc1: {  	_ =	task.clear_ibuf [dreg:s6], $0x2FFFF;
	_ =	strace $0x9FFFFFFF  }
0xc2: {  	(tm) =	ssettm $0x7FFFFFFF  }
0xc3: {  	_ =	shalt  }
tec
execute0_lowered:
.L_overlay_start_1:
0x0: {  	(tag) =	ssettag $0x1  }
0x1: {  	s0 =	srdreg.scid;
	s6 =	rddreg [dreg:$0x0]  }
0x2: {  	s2 =	rddreg [dreg:$0x1];
	s1 =	stileid.u32  }
0x3: {  	s3 =	simm.s32 $0x0;
	s19 =	simm.s32 $0x1400;
	s20 =	simm.s32 $0x80  }
0x4: {  	s21 =	simm.s32 $0x16800;
	s28 =	simm.s32 $0x2780;
	s29 =	simm.s32 $0x0  }
0x5: {  	s8 =	sand.u32 $0x1, s0;
	[smem:$0x7FF] =	sst s3;
	s9 =	smul.u32 $0x28000, s1  }
0x6: {  	s11 =	smul.u32 $0x50000, s1;
	s12 =	sadd.s32 $0x88A00, s6;
	s25 =	sshll.u32 s1, $0x6  }
0x7: {  	p0 =	seq.s32 s1, $0xF;
	s4 =	sshll.u32 s8, $0x4;
	_ =	strace $0x8000004A  }
0x8: {  	s7 =	ssub.s32 $0x2, s8;
	s26 =	smul.u32 $0x271000, s8;
	s4 =	sor.u32 s1, s4  }
0x9: {  	s22 =	sshrl.u32 s7, $0x1;
	s23 =	sshrl.u32 s9, $0x1;
	s24 =	sshrl.u32 s11, $0x2  }
0xa: {  	s5 =	smul.u32 $0x280, s4;
	s4 =	sadd.s32 $0x61800, s6;
	s13 =	ssub.s32 s7, s22  }
0xb: {  	s14 =	sadd.s32 s24, s2;
	s7 =	sor.u32 $0x1C03, s25;
	s30 =	sadd.s32 s9, s26  }
0xc: {  	s11 =	sshrl.u32 s26, $0x4;
	s25 =	sadd.s32 $0x12C000, s2;
	s22 =	simm.s32 $0x1A800  }
0xd: {  	s24 =	simm.s32 $0x2;
	s26 =	simm.s32 $0x2700;
	s15 =	sadd.s32 $0x4000, s14  }
0xe: {  	s16 =	sadd.s32 $0x8000, s14;
	s17 =	sadd.s32 $0xC000, s14;
	s18 =	sadd.s32 $0x10000, s14  }
0xf: {  	s31 =	sshrl.u32 s30, $0x4;
	s11 =	sadd.s32 s12, s11;
	s14 =	simm.s32 $0x3  }
0x10: {  	s25 =	sshrl.u32 @p0 s25, $0x3;
	s10 =	sadd.s32 s5, s6;
	s5 =	sadd.s32 $0xDC00, s6  }
0x11: {  	s6 =	sadd.s32 s23, s2;
	s11 =	sadd.s32 $0x25800, s11;
	s15 =	sshrl.u32 s15, $0x3  }
0x12: {  	s16 =	sshrl.u32 s16, $0x3;
	s17 =	sshrl.u32 s17, $0x3;
	s18 =	sshrl.u32 s18, $0x3  }
0x13: {  	s23 =	simm.s32 $0x1;
	s8 =	sadd.s32 $0xE400, s10;
	s9 =	sadd.s32 $0x3A00, s10  }
0x14: {  	s10 =	sadd.s32 s12, s31;
	s12 =	smax.u32 s13, $0x1;
	s13 =	sshrl.u32 s6, $0x3  }
.LBB2_1:
0x15: {  	[spmem:s13], [sflag:s7] =	dma.local [hbm:s5], $0x800  }
0x16: {  	_ =	swait.ge [sflag:s14], $0x800  }
0x17: {  	[sflag:s14] =	ssyncset.done $0x0  }
0x18: {  	[sflag:s14] =	ssyncadd.s32 $0xFFFFF800  }
0x19: {  	[spmem:s15], [sflag:s7] =	dma.local [hbm:s5], $0x800  }
0x1a: {  	_ =	swait.ge [sflag:s14], $0x800  }
0x1b: {  	[sflag:s14] =	ssyncset.done $0x0  }
0x1c: {  	[sflag:s14] =	ssyncadd.s32 $0xFFFFF800  }
0x1d: {  	[spmem:s16], [sflag:s7] =	dma.local [hbm:s5], $0x800  }
0x1e: {  	_ =	swait.ge [sflag:s14], $0x800  }
0x1f: {  	[sflag:s14] =	ssyncset.done $0x0  }
0x20: {  	[sflag:s14] =	ssyncadd.s32 $0xFFFFF800  }
0x21: {  	[spmem:s17], [sflag:s7] =	dma.local [hbm:s5], $0x800  }
0x22: {  	_ =	swait.ge [sflag:s14], $0x800  }
0x23: {  	[sflag:s14] =	ssyncset.done $0x0  }
0x24: {  	[sflag:s14] =	ssyncadd.s32 $0xFFFFF800  }
0x25: {  	[spmem:s18], [sflag:s7] =	dma.local [hbm:s5], $0x800  }
0x26: {  	_ =	swait.ge [sflag:s14], $0x800  }
0x27: {  	[sflag:s14] =	ssyncset.done $0x0  }
0x28: {  	[sflag:s14] =	ssyncadd.s32 $0xFFFFF800  }
0x29: {  	[bflag:$0x0] =	sbarrier.arrive $0xFFFF  }
0x2a: {  	[tilespmem:s3], [sflag:$0x3] =	stream.linear.gather [hbm4b:s8+s3], $0x1400, $0x38;
	[tilespmem:$0x1E800] =	vst v63  }
0x2b: {  	_ =	swait.ge [sflag:s14], $0x1400  }
0x2c: {  	[sflag:s14] =	ssyncset.done $0x0  }
0x2d: {  	[sflag:s14] =	ssyncadd.s32 $0xFFFFEC00  }
0x2e: {  	[tilespmem:s19], [sflag:$0x3] =	stream.linear.gather [hbm4b:s9+s3], $0x1400, $0x38;
	[tilespmem:$0x1E800] =	vst v63  }
0x2f: {  	_ =	swait.ge [sflag:s14], $0x1400  }
0x30: {  	[sflag:s14] =	ssyncset.done $0x0  }
0x31: {  	[sflag:s14] =	ssyncadd.s32 $0xFFFFEC00  }
0x32: {  	[tilespmem:s21], [sflag:$0x1] =	stream.indirect.gather [hbm4b:s4+s20], $0x80, s3, s20, $0xb8;
	[tilespmem:$0x1E800] =	vst v63  }
0x33: {  	_ = 	snop  }
0x34: {  	[tilespmem:s22], [sflag:$0x2] =	stream.indirect.gather [hbm4b:s4+s20], $0x80, s20, s20, $0xb8;
	[tilespmem:$0x1E800] =	vst v63  }
0x35: {  	_ =	swait.ge [sflag:s23], $0x4000  }
0x36: {  	[sflag:s23] =	ssyncset.done $0x0  }
0x37: {  	s30 =	simm.s32 $0x1400;
	[sflag:s23] =	ssyncadd.s32 $0xFFFFC000  }
0x38: {  	[spmem:s2] =	stream.indirect.scatter.add.bf16 [tilespmem:s21], [sflag:$0x3], $0x80, s30, s20, $0xb8;
	[tilespmem:$0x1E800] =	vst v63  }
0x39: {  	_ =	swait.ge [sflag:s14], $0x4000  }
0x3a: {  	[sflag:s14] =	ssyncset.done $0x0  }
0x3b: {  	s30 =	simm.s32 $0x100;
	[sflag:s14] =	ssyncadd.s32 $0xFFFFC000  }
0x3c: {  	[tilespmem:s21], [sflag:$0x1] =	stream.indirect.gather [hbm4b:s4+s20], $0x80, s30, s20, $0xb8;
	[tilespmem:$0x1E800] =	vst v63  }
0x3d: {  	_ =	swait.ge [sflag:s24], $0x4000  }
0x3e: {  	[sflag:s24] =	ssyncset.done $0x0  }
0x3f: {  	s30 =	simm.s32 $0x1480;
	[sflag:s24] =	ssyncadd.s32 $0xFFFFC000  }
0x40: {  	[spmem:s2] =	stream.indirect.scatter.add.bf16 [tilespmem:s22], [sflag:$0x3], $0x80, s30, s20, $0xb8;
	[tilespmem:$0x1E800] =	vst v63  }
0x41: {  	_ =	swait.ge [sflag:s14], $0x4000  }
0x42: {  	[sflag:s14] =	ssyncset.done $0x0  }
0x43: {  	s31 =	simm.s32 $0x180;
	s30 =	simm.s32 $0x400;
	[sflag:s14] =	ssyncadd.s32 $0xFFFFC000  }
.LBB2_2:
0x44: {  	[tilespmem:s22], [sflag:$0x2] =	stream.indirect.gather [hbm4b:s4+s20], $0x80, s31, s20, $0xb8;
	[tilespmem:$0x1E800] =	vst v63  }
0x45: {  	s31 =	smov.u32 s30  }
0x46: {  	p1 =	sne.s32 s30, $0x4800;
	s30 =	sadd.s32 $0x400, s30;
	_ =	swait.ge [sflag:s23], $0x4000  }
0x47: {  	s31 =	sshra.s32 s31, $0x2;
	[sflag:s23] =	ssyncset.done $0x0  }
0x48: {  	s0 =	sadd.s32 $0x1400, s31;
	[sflag:s23] =	ssyncadd.s32 $0xFFFFC000  }
0x49: {  	[spmem:s2] =	stream.indirect.scatter.add.bf16 [tilespmem:s21], [sflag:$0x3], $0x80, s0, s20, $0xb8;
	[tilespmem:$0x1E800] =	vst v63  }
0x4a: {  	_ =	swait.ge [sflag:s14], $0x4000  }
0x4b: {  	[sflag:s14] =	ssyncset.done $0x0  }
0x4c: {  	s0 =	sadd.s32 $0x100, s31;
	[sflag:s14] =	ssyncadd.s32 $0xFFFFC000  }
0x4d: {  	[tilespmem:s21], [sflag:$0x1] =	stream.indirect.gather [hbm4b:s4+s20], $0x80, s0, s20, $0xb8;
	[tilespmem:$0x1E800] =	vst v63  }
0x4e: {  	_ =	swait.ge [sflag:s24], $0x4000  }
0x4f: {  	[sflag:s24] =	ssyncset.done $0x0  }
.Ltmp0:
0x50: {  	s0 =	sadd.s32 $0x1480, s31;
	[sflag:s24] =	ssyncadd.s32 $0xFFFFC000;
	(pc) =	sbr.rel @p1 .LBB2_2-.Ltmp0, $4  }
0x51: {  	[spmem:s2] =	stream.indirect.scatter.add.bf16 [tilespmem:s22], [sflag:$0x3], $0x80, s0, s20, $0xb8;
	[tilespmem:$0x1E800] =	vst v63  }
0x52: {  	_ =	swait.ge [sflag:s14], $0x4000  }
0x53: {  	[sflag:s14] =	ssyncset.done $0x0  }
0x54: {  	s31 =	sadd.s32 $0x180, s31;
	[sflag:s14] =	ssyncadd.s32 $0xFFFFC000  }
0x55: {  	[tilespmem:s22], [sflag:$0x2] =	stream.indirect.gather [hbm4b:s4+s20], $0x80, s31, s20, $0xb8;
	[tilespmem:$0x1E800] =	vst v63  }
0x56: {  	_ =	swait.ge [sflag:s23], $0x4000  }
0x57: {  	[sflag:s23] =	ssyncset.done $0x0  }
0x58: {  	[sflag:s23] =	ssyncadd.s32 $0xFFFFC000  }
0x59: {  	[spmem:s2] =	stream.indirect.scatter.add.bf16 [tilespmem:s21], [sflag:$0x3], $0x80, s26, s20, $0xb8;
	[tilespmem:$0x1E800] =	vst v63  }
0x5a: {  	_ =	swait.ge [sflag:s14], $0x4000  }
0x5b: {  	[sflag:s14] =	ssyncset.done $0x0  }
0x5c: {  	[sflag:s14] =	ssyncadd.s32 $0xFFFFC000  }
0x5d: {  	_ =	swait.ge [sflag:s24], $0x4000  }
0x5e: {  	[sflag:s24] =	ssyncset.done $0x0  }
0x5f: {  	[sflag:s24] =	ssyncadd.s32 $0xFFFFC000  }
0x60: {  	[spmem:s2] =	stream.indirect.scatter.add.bf16 [tilespmem:s22], [sflag:$0x3], $0x80, s28, s20, $0xb8;
	[tilespmem:$0x1E800] =	vst v63  }
0x61: {  	_ =	swait.ge [sflag:s14], $0x4000  }
0x62: {  	[sflag:s14] =	ssyncset.done $0x0  }
0x63: {  	[sflag:s14] =	ssyncadd.s32 $0xFFFFC000  }
0x64: {  	s0 =	simm.s32 @p0 $0x3;
	[bflag:$0x0] =	sbarrier.arrive $0xFFFF  }
0x65: {  	[hbm:s11], [sflag:s7] =	dma.local @p0 [spmem:s25], $0x1900  }
0x66: {  	_ =	swait.ge @p0 [sflag:s0], $0x1900  }
0x67: {  	s29 =	sadd.s32 $0x1, s29;
	[sflag:s0] =	ssyncset.done @p0 $0x0  }
0x68: {  	p1 =	sne.s32 s29, s12;
	[sflag:s0] =	ssyncadd.s32 @p0 $0xFFFFE700;
	s0 =	sshrl.u32 @!p0 s6, $0x3  }
0x69: {  	[hbm:s10], [sflag:s7] =	dma.local @!p0 [spmem:s0], $0x2800  }
.Ltmp1:
0x6a: {  	_ = 	snop;
	(pc) =	sbr.rel @p1 .LBB2_1-.Ltmp1, $4  }
0x6b: {  	s0 =	simm.s32 @!p0 $0x3  }
0x6c: {  	_ =	swait.ge @!p0 [sflag:s0], $0x2800  }
0x6d: {  	[sflag:s0] =	ssyncset.done @!p0 $0x0  }
0x6e: {  	[sflag:s0] =	ssyncadd.s32 @!p0 $0xFFFFD800  }
0x6f: {  	_ =	sfence.sel $0x180000  }
0x70: {  	[bflag:$0x0] =	sbarrier.arrive $0xFFFF  }
0x71: {  	_ =	strace $0x9000004A  }
0x72: {  	[bflag:$0x2] =	sbarrier.arrive $0xFFFF  }
0x73: {  	p0 =	sne.s32 s1, $0x0;
	s0 =	rddreg [dreg:$0x2]  }
0x74: {  	s0 =	sadd.s32 @!p0 $0x100000, s0  }
0x75: {  	[sflag:s0] =	ssyncadd.tile.s32 @!p0 $0x1;
	_ =	shalt  }
.Lfunc_end2:
_tile_overlayer_lowered:
.L_overlay_start_2:
0x76: {  	(tag) =	ssettag $0x2  }
0x77: {  	s0 =	rddreg [dreg:$0x0];
	s2 =	stileid.u32  }
0x78: {  	s1 =	rddreg [dreg:$0x1];
	p0 =	sne.s32 s2, $0x0  }
0x79: {  	s3 =	rddreg [dreg:$0x2];
	[bflag:$0x3] =	sbarrier.arrive $0xFFFF;
	s2 =	simm.s32 @!p0 $0x1C03  }
0x7a: {  	[timem:s3], [sflag:s2] =	dma.local @!p0 [hbm:s0], s1  }
0x7b: {  	s0 =	simm.s32 @!p0 $0x3  }
0x7c: {  	_ =	swait.ge @!p0 [sflag:s0], s1  }
0x7d: {  	s1 =	ssub.s32 @!p0 $0x0, s1;
	[sflag:s0] =	ssyncset.done @!p0 $0x0  }
0x7e: {  	[sflag:s0] =	ssyncadd.s32 @!p0 s1  }
0x7f: {  	[bflag:$0x3] =	sbarrier.arrive $0xFFFF  }
0x80: {  	_ =	shalt  }

// kernel: kernel.15.cloned.1.call-start
scs
__scs_entry_jumppad:
0x0: {  	(pc) =	sbr.rel $0x88, $3  }
0x1: {  	(tag) =	ssettag $0x0;
	lr =	simm.s32 $0x1  }
0x2: {  	[smem:$0x3F96] =	sst lr;
	_ =	strace $0xD0000000  }
0x3: {  	_ = 	snop  }
0x4: {  	_ = 	snop  }
0x5: {  	_ = 	snop  }
0x6: {  	_ = 	snop  }
0x7: {  	_ = 	snop  }
__scs_overlays_trampoline_lowered:
0x8: {  	[smem:$0x3FA5] =	sst s0  }
0x9: {  	[smem:$0x3FA6] =	sst s1  }
0xa: {  	[smem:$0x3FA7] =	sst s2  }
0xb: {  	[smem:$0x3FA8] =	sst s3  }
0xc: {  	[smem:$0x3FA9] =	sst s4  }
0xd: {  	[smem:$0x3FAA] =	sst s5  }
0xe: {  	[smem:$0x3FAB] =	sst s6  }
0xf: {  	[smem:$0x3FAC] =	sst s7  }
0x10: {  	[smem:$0x3FAD] =	sst s8  }
0x11: {  	[smem:$0x3FAE] =	sst s9;
	s0 =	simm.s32 @!p0 $0x0  }
0x12: {  	s1 =	sld [smem:$0x3F94];
	s0 =	simm.s32 @p0 $0x1  }
0x13: {  	[smem:$0x3FAF] =	sst s0;
	s0 =	simm.s32 @!p1 $0x0  }
0x14: {  	s2 =	sld [smem:$0x3F93];
	s0 =	simm.s32 @p1 $0x1  }
0x15: {  	[smem:$0x3FB0] =	sst s0;
	s0 =	simm.s32 @!p2 $0x0  }
0x16: {  	s3 =	sld [smem:$0x3FDB];
	s0 =	simm.s32 @p2 $0x1  }
0x17: {  	s4 =	simm.s32 $0x1BF5;
	[smem:$0x3FB2] =	sst s0  }
0x18: {  	s0 =	sld [smem:$0x3F95];
	_ =	swait.ge [sflag:s4], $0x0  }
0x19: {  	s7 =	sld [smem:$0x3F96]  }
0x1a: {  	s8 =	sadd.s32 $0xFFFFE003, lr  }
0x1b: {  	s9 =	sadd.s32 $0xFFFFFEF7, lr;
	s5 =	simm.s32 $0xFFFFFFFF;
	p2 =	slt.u32 s8, $0xFFFFF086  }
0x1c: {  	p1 =	slt.u32 s9, $0xF7A;
	s5 =	simm.s32 @!p2 $0x0  }
0x1d: {  	s5 =	simm.s32 @p1 $0x1;
	p0 =	seq.s32 s7, s2  }
0x1e: {  	s7 =	smul.u32 @!p0 $0xF7A, s2;
	p2 =	seq.s32 @!p0 s5, $0x0  }
0x1f: {  	s9 =	smul.u32 $0xF7A, s1;
	s8 =	simm.s32 @!p0 $0x1BF5;
	p2 =	por !p2, p0  }
0x20: {  	[sflag:s8] =	ssyncset.s32 @!p0 $0xFFFFF086;
	s6 =	sadd.s32 @!p0 s3, s7;
	s7 =	simm.s32 @!p0 $0x108  }
0x21: {  	s3 =	sadd.s32 s3, s9;
	s6 =	sadd.s32 @!p0 $0x88, s6;
	s7 =	simm.s32 @p2 $0x1082  }
0x22: {  	[simem:s7], [sflag:s8] =	dma.local @!p0 [hbm:s6], $0xF7A  }
0x23: {  	s9 =	sor.u32 $0xD0000000, s2;
	s6 =	simm.s32 $0x108;
	_ =	swait.ge @!p0 [sflag:s8], $0x0  }
0x24: {  	s3 =	sadd.s32 $0x88, s3;
	s6 =	simm.s32 @!p1 $0x1082;
	[sflag:s4] =	ssyncset.s32 $0xFFFFF086  }
0x25: {  	[simem:s6], [sflag:s4] =	dma.local [hbm:s3], $0xF7A  }
0x26: {  	[smem:$0x3F96] =	sst s1;
	(tag) =	ssettag s2;
	_ =	strace s9  }
0x27: {  	s1 =	sld [smem:$0x3FA6]  }
0x28: {  	s2 =	sld [smem:$0x3FA7]  }
0x29: {  	s4 =	sld [smem:$0x3FA9]  }
0x2a: {  	p0 =	seq.s32 s5, $0x0;
	s5 =	sld [smem:$0x3FAA]  }
0x2b: {  	s6 =	sld [smem:$0x3FAB]  }
0x2c: {  	s7 =	sld [smem:$0x3FAC]  }
0x2d: {  	s3 =	simm.s32 $0x108;
	s8 =	sld [smem:$0x3FAD]  }
0x2e: {  	s3 =	simm.s32 @!p0 $0x1082;
	s9 =	sld [smem:$0x3FAE]  }
0x2f: {  	lr =	sadd.s32 s0, s3;
	s0 =	sld [smem:$0x3FA5]  }
0x30: {  	s3 =	sld [smem:$0x3FA8]  }
0x31: {  	[smem:$0x3FB1] =	sst s10  }
0x32: {  	s10 =	sld [smem:$0x3FAF];
	_ =	sdelay $0x3  }
0x33: {  	p0 =	seq.s32 s10, $0x1;
	s10 =	sld [smem:$0x3FB1];
	_ =	sdelay $0x3  }
0x34: {  	[smem:$0x3FB1] =	sst s10  }
0x35: {  	s10 =	sld [smem:$0x3FB0];
	_ =	sdelay $0x3  }
0x36: {  	p1 =	seq.s32 s10, $0x1;
	s10 =	sld [smem:$0x3FB1];
	_ =	sdelay $0x3  }
0x37: {  	[smem:$0x3FB1] =	sst s10  }
0x38: {  	s10 =	sld [smem:$0x3FB2]  }
0x39: {  	_ = 	snop;
	(pc) =	sbr.ind lr, $3  }
0x3a: {  	_ = 	snop  }
0x3b: {  	_ = 	snop  }
0x3c: {  	p2 =	seq.s32 s10, $0x1;
	s10 =	sld [smem:$0x3FB1]  }
0x3d: {  	_ =	shalt  }
0x3e: {  	_ =	shalt  }
0x3f: {  	_ =	shalt  }
0x40: {  	_ =	shalt  }
0x41: {  	_ =	shalt  }
0x42: {  	_ =	shalt  }
0x43: {  	_ =	shalt  }
0x44: {  	_ =	shalt  }
0x45: {  	_ =	shalt  }
0x46: {  	_ =	shalt  }
0x47: {  	_ =	shalt  }
0x48: {  	_ =	shalt  }
0x49: {  	_ =	shalt  }
0x4a: {  	_ =	shalt  }
0x4b: {  	_ =	shalt  }
0x4c: {  	_ =	shalt  }
0x4d: {  	_ =	shalt  }
0x4e: {  	_ =	shalt  }
0x4f: {  	_ =	shalt  }
0x50: {  	_ =	shalt  }
0x51: {  	_ =	shalt  }
0x52: {  	_ =	shalt  }
0x53: {  	_ =	shalt  }
0x54: {  	_ =	shalt  }
0x55: {  	_ =	shalt  }
0x56: {  	_ =	shalt  }
0x57: {  	_ =	shalt  }
0x58: {  	_ =	shalt  }
0x59: {  	_ =	shalt  }
0x5a: {  	_ =	shalt  }
0x5b: {  	_ =	shalt  }
0x5c: {  	_ =	shalt  }
0x5d: {  	_ =	shalt  }
0x5e: {  	_ =	shalt  }
0x5f: {  	_ =	shalt  }
0x60: {  	_ =	shalt  }
0x61: {  	_ =	shalt  }
0x62: {  	_ =	shalt  }
0x63: {  	_ =	shalt  }
0x64: {  	_ =	shalt  }
0x65: {  	_ =	shalt  }
0x66: {  	_ =	shalt  }
0x67: {  	_ =	shalt  }
0x68: {  	_ =	shalt  }
0x69: {  	_ =	shalt  }
0x6a: {  	_ =	shalt  }
0x6b: {  	_ =	shalt  }
0x6c: {  	_ =	shalt  }
0x6d: {  	_ =	shalt  }
0x6e: {  	_ =	shalt  }
0x6f: {  	_ =	shalt  }
0x70: {  	_ =	shalt  }
0x71: {  	_ =	shalt  }
0x72: {  	_ =	shalt  }
0x73: {  	_ =	shalt  }
0x74: {  	_ =	shalt  }
0x75: {  	_ =	shalt  }
0x76: {  	_ =	shalt  }
0x77: {  	_ =	shalt  }
0x78: {  	_ =	shalt  }
0x79: {  	_ =	shalt  }
0x7a: {  	_ =	shalt  }
0x7b: {  	_ =	shalt  }
0x7c: {  	_ =	shalt  }
0x7d: {  	_ =	shalt  }
0x7e: {  	_ =	shalt  }
0x7f: {  	_ =	shalt  }
0x80: {  	_ =	shalt  }
0x81: {  	_ =	shalt  }
0x82: {  	_ =	shalt  }
0x83: {  	_ =	shalt  }
0x84: {  	_ =	shalt  }
0x85: {  	_ =	shalt  }
0x86: {  	_ =	shalt  }
0x87: {  	_ =	shalt  }
.Lfunc_end0:
.L_simem_size_0:
called_computation.2_lowered:
.L_overlay_start_0:
0x88: {  	s2 =	sld [smem:$0x3FD9]  }
0x89: {  	s3 =	sld [smem:$0x3FFE];
	_ =	sdelay $0x1  }
0x8a: {  	s1 =	srdreg.scid  }
0x8b: {  	s0 =	sand.u32 $0x1, s1  }
0x8c: {  	s16 =	sshll.u32 s0, $0xA;
	s2 =	sadd.s32 s3, s2  }
0x8d: {  	s2 =	sadd.s32 s2, s16  }
0x8e: {  	[smem:$0x3FBD] =	sst s2  }
0x8f: {  	_ = 	snop  }
0x90: {  	(tm) =	ssettm $0x1  }
0x91: {  	s17 =	sld [smem:$0x3FFB];
	_ =	sdelay $0x3  }
0x92: {  	_ =	strace s17  }
0x93: {  	s2 =	sld [smem:$0x3FFC];
	_ =	sdelay $0x3  }
0x94: {  	_ =	strace s2  }
0x95: {  	s2 =	sld [smem:$0x3FFD];
	_ =	sdelay $0x3  }
0x96: {  	_ =	strace s2  }
0x97: {  	_ =	strace $0x8FFFFFFF  }
0x98: {  	s18 =	sld [smem:$0x3FDB];
	_ =	sdelay $0x1  }
0x99: {  	s19 =	simm.s32 $_scs_section_size  }
0x9a: {  	s4 =	simm.s32 $_size__tile_overlayer_lowered;
	s5 =	simm.s32 $_tile_overlayer_lowered  }
0x9b: {  	s22 =	simm.s32 $0x1BFF;
	s21 =	sshll.u32 s5, $0x1;
	s2 =	sadd.s32 s19, s18  }
0x9c: {  	s6 =	simm.s32 $0x0;
	s20 =	sshll.u32 s4, $0x1;
	s4 =	sadd.s32 s21, s2  }
0x9d: {  	[timem:s6], [sflag:s22] =	dma.local [hbm:s4], s20  }
0x9e: {  	_ =	swait.ge [sflag:s22], s20  }
0x9f: {  	s3 =	ssub.s32 $0x0, s20;
	[sflag:s22] =	ssyncset.done $0x0  }
0xa0: {  	[sflag:s22] =	ssyncadd.s32 s3;
	_ =	sdelay $0x1  }
0xa1: {  	s23 =	simm.s32 $0x1B8B  }
0xa2: {  	_ =	swait.ge [sflag:s23], $0x1  }
0xa3: {  	[sflag:s23] =	ssyncset.done $0x0  }
0xa4: {  	s25 =	simm.s32 $0x1B8E;
	s24 =	sld [smem:$0x3FFE];
	[sflag:s23] =	ssyncadd.s32 $0xFFFFFFFF  }
0xa5: {  	s26 =	simm.s32 $execute0_lowered;
	[smem:$0x3FD2] =	sst s25  }
0xa6: {  	s4 =	sshll.u32 s26, $0x1;
	_ =	strace $0x8000004C;
	[dreg:$0x1] =	wrdreg $0xFFFFFFFF  }
0xa7: {  	s28 =	simm.s32 $_size_execute0_lowered;
	s2 =	sadd.s32 s2, s4;
	[dreg:$0x0] =	wrdreg $0x0  }
0xa8: {  	s4 =	sshll.u32 s28, $0x1;
	[dreg:$0x2] =	wrdreg s2  }
0xa9: {  	[dreg:$0x3] =	wrdreg s4  }
0xaa: {  	[dreg:$0x4] =	wrdreg $0xC0  }
0xab: {  	_ =	task [dreg:s6], $0x5FFFF  }
0xac: {  	[dreg:$0x1] =	wrdreg $0xFFFFFFFF  }
0xad: {  	[dreg:$0x0] =	wrdreg $0x60  }
0xae: {  	[dreg:$0x2] =	wrdreg s24  }
0xaf: {  	[dreg:$0x3] =	wrdreg $0x28000  }
0xb0: {  	[dreg:$0x4] =	wrdreg $0x9  }
0xb1: {  	_ =	task.clear_ibuf [dreg:s6], $0x5FFFF;
	_ =	strace $0x9000004C  }
0xb2: {  	s29 =	simm.s32 $0x9;
	_ =	strace $0x8000004E  }
0xb3: {  	_ =	swait.ge [sflag:s29], $0x1  }
0xb4: {  	[sflag:s29] =	ssyncadd.s32 $0xFFFFFFFF  }
0xb5: {  	_ =	strace $0x9000004E  }
0xb6: {  	_ =	sfence  }
0xb7: {  	s30 =	sld [smem:$0x0];
	_ =	sdelay $0x2  }
0xb8: {  	s31 =	sshll.u32 s1, $0xD;
	s1 =	sshrl.u32 s1, $0x2  }
0xb9: {  	s3 =	sand.u32 $0x4000, s31;
	s1 =	sadd.s32 s1, s30  }
0xba: {  	s0 =	sor.u32 s3, s0;
	s1 =	sshll.u32 s1, $0x11  }
0xbb: {  	s0 =	sor.u32 s1, s0  }
0xbc: {  	s0 =	sadd.s32 $0x8F2B, s0  }
0xbd: {  	[sflag:s0] =	ssyncadd.remote.s32 $0x1  }
0xbe: {  	_ =	sfence.sel $0xFFFF  }
0xbf: {  	[dreg:$0x0] =	wrdreg $0xFFFFFFFF;
	(pc) =	sbr.abs _section_cstart, $3  }
0xc0: {  	[dreg:$0x1] =	wrdreg $0xFFFFFFFF  }
0xc1: {  	_ =	task.clear_ibuf [dreg:s6], $0x2FFFF;
	_ =	strace $0x9FFFFFFF  }
0xc2: {  	(tm) =	ssettm $0x7FFFFFFF  }
0xc3: {  	_ =	shalt  }
tec
execute0_lowered:
.L_overlay_start_1:
0x0: {  	(tag) =	ssettag $0x1  }
0x1: {  	s0 =	srdreg.scid;
	s6 =	rddreg [dreg:$0x0]  }
0x2: {  	s2 =	rddreg [dreg:$0x1];
	s1 =	stileid.u32  }
0x3: {  	s3 =	simm.s32 $0x0;
	s19 =	simm.s32 $0x1400;
	s20 =	simm.s32 $0x80  }
0x4: {  	s21 =	simm.s32 $0x7800;
	s28 =	simm.s32 $0x2780;
	s29 =	simm.s32 $0x0  }
0x5: {  	s8 =	sand.u32 $0x1, s0;
	[smem:$0x7FF] =	sst s3;
	s9 =	smul.u32 $0xA000, s1  }
0x6: {  	s11 =	smul.u32 $0x14000, s1;
	s12 =	sadd.s32 $0x6B600, s6;
	s25 =	sshll.u32 s1, $0x6  }
0x7: {  	p0 =	seq.s32 s1, $0xF;
	s4 =	sshll.u32 s8, $0x4;
	_ =	strace $0x8000004D  }
0x8: {  	s7 =	ssub.s32 $0x2, s8;
	s26 =	smul.u32 $0x9C400, s8;
	s4 =	sor.u32 s1, s4  }
0x9: {  	s22 =	sshrl.u32 s7, $0x1;
	s23 =	sshrl.u32 s9, $0x1;
	s24 =	sshrl.u32 s11, $0x2  }
0xa: {  	s5 =	smul.u32 $0x280, s4;
	s4 =	sadd.s32 $0x61800, s6;
	s13 =	ssub.s32 s7, s22  }
0xb: {  	s14 =	sadd.s32 s24, s2;
	s7 =	sor.u32 $0x1C03, s25;
	s30 =	sadd.s32 s9, s26  }
0xc: {  	s11 =	sshrl.u32 s26, $0x4;
	s25 =	sadd.s32 $0x4B000, s2;
	s22 =	simm.s32 $0x8800  }
0xd: {  	s24 =	simm.s32 $0x2;
	s26 =	simm.s32 $0x2700;
	s15 =	sadd.s32 $0x1000, s14  }
0xe: {  	s16 =	sadd.s32 $0x2000, s14;
	s17 =	sadd.s32 $0x3000, s14;
	s18 =	sadd.s32 $0x4000, s14  }
0xf: {  	s31 =	sshrl.u32 s30, $0x4;
	s11 =	sadd.s32 s12, s11;
	s14 =	simm.s32 $0x3  }
0x10: {  	s25 =	sshrl.u32 @p0 s25, $0x3;
	s10 =	sadd.s32 s5, s6;
	s5 =	sadd.s32 $0x8A00, s6  }
0x11: {  	s6 =	sadd.s32 s23, s2;
	s11 =	sadd.s32 $0x9600, s11;
	s15 =	sshrl.u32 s15, $0x3  }
0x12: {  	s16 =	sshrl.u32 s16, $0x3;
	s17 =	sshrl.u32 s17, $0x3;
	s18 =	sshrl.u32 s18, $0x3  }
0x13: {  	s23 =	simm.s32 $0x1;
	s8 =	sadd.s32 $0xE400, s10;
	s9 =	sadd.s32 $0x3A00, s10  }
0x14: {  	s10 =	sadd.s32 s12, s31;
	s12 =	smax.u32 s13, $0x1;
	s13 =	sshrl.u32 s6, $0x3  }
.LBB2_1:
0x15: {  	[spmem:s13], [sflag:s7] =	dma.local [hbm:s5], $0x200  }
0x16: {  	_ =	swait.ge [sflag:s14], $0x200  }
0x17: {  	[sflag:s14] =	ssyncset.done $0x0  }
0x18: {  	[sflag:s14] =	ssyncadd.s32 $0xFFFFFE00  }
0x19: {  	[spmem:s15], [sflag:s7] =	dma.local [hbm:s5], $0x200  }
0x1a: {  	_ =	swait.ge [sflag:s14], $0x200  }
0x1b: {  	[sflag:s14] =	ssyncset.done $0x0  }
0x1c: {  	[sflag:s14] =	ssyncadd.s32 $0xFFFFFE00  }
0x1d: {  	[spmem:s16], [sflag:s7] =	dma.local [hbm:s5], $0x200  }
0x1e: {  	_ =	swait.ge [sflag:s14], $0x200  }
0x1f: {  	[sflag:s14] =	ssyncset.done $0x0  }
0x20: {  	[sflag:s14] =	ssyncadd.s32 $0xFFFFFE00  }
0x21: {  	[spmem:s17], [sflag:s7] =	dma.local [hbm:s5], $0x200  }
0x22: {  	_ =	swait.ge [sflag:s14], $0x200  }
0x23: {  	[sflag:s14] =	ssyncset.done $0x0  }
0x24: {  	[sflag:s14] =	ssyncadd.s32 $0xFFFFFE00  }
0x25: {  	[spmem:s18], [sflag:s7] =	dma.local [hbm:s5], $0x200  }
0x26: {  	_ =	swait.ge [sflag:s14], $0x200  }
0x27: {  	[sflag:s14] =	ssyncset.done $0x0  }
0x28: {  	[sflag:s14] =	ssyncadd.s32 $0xFFFFFE00  }
0x29: {  	[bflag:$0x0] =	sbarrier.arrive $0xFFFF  }
0x2a: {  	[tilespmem:s3], [sflag:$0x3] =	stream.linear.gather [hbm4b:s8+s3], $0x1400, $0x38;
	[tilespmem:$0x9800] =	vst v63  }
0x2b: {  	_ =	swait.ge [sflag:s14], $0x1400  }
0x2c: {  	[sflag:s14] =	ssyncset.done $0x0  }
0x2d: {  	[sflag:s14] =	ssyncadd.s32 $0xFFFFEC00  }
0x2e: {  	[tilespmem:s19], [sflag:$0x3] =	stream.linear.gather [hbm4b:s9+s3], $0x1400, $0x38;
	[tilespmem:$0x9800] =	vst v63  }
0x2f: {  	_ =	swait.ge [sflag:s14], $0x1400  }
0x30: {  	[sflag:s14] =	ssyncset.done $0x0  }
0x31: {  	[sflag:s14] =	ssyncadd.s32 $0xFFFFEC00  }
0x32: {  	[tilespmem:s21], [sflag:$0x1] =	stream.indirect.gather [hbm4b:s4+s20], $0x20, s3, s20, $0xb8;
	[tilespmem:$0x9800] =	vst v63  }
0x33: {  	_ = 	snop  }
0x34: {  	[tilespmem:s22], [sflag:$0x2] =	stream.indirect.gather [hbm4b:s4+s20], $0x20, s20, s20, $0xb8;
	[tilespmem:$0x9800] =	vst v63  }
0x35: {  	_ =	swait.ge [sflag:s23], $0x1000  }
0x36: {  	[sflag:s23] =	ssyncset.done $0x0  }
0x37: {  	s30 =	simm.s32 $0x1400;
	[sflag:s23] =	ssyncadd.s32 $0xFFFFF000  }
0x38: {  	[spmem:s2] =	stream.indirect.scatter.add.bf16 [tilespmem:s21], [sflag:$0x3], $0x20, s30, s20, $0xb8;
	[tilespmem:$0x9800] =	vst v63  }
0x39: {  	_ =	swait.ge [sflag:s14], $0x1000  }
0x3a: {  	[sflag:s14] =	ssyncset.done $0x0  }
0x3b: {  	s30 =	simm.s32 $0x100;
	[sflag:s14] =	ssyncadd.s32 $0xFFFFF000  }
0x3c: {  	[tilespmem:s21], [sflag:$0x1] =	stream.indirect.gather [hbm4b:s4+s20], $0x20, s30, s20, $0xb8;
	[tilespmem:$0x9800] =	vst v63  }
0x3d: {  	_ =	swait.ge [sflag:s24], $0x1000  }
0x3e: {  	[sflag:s24] =	ssyncset.done $0x0  }
0x3f: {  	s30 =	simm.s32 $0x1480;
	[sflag:s24] =	ssyncadd.s32 $0xFFFFF000  }
0x40: {  	[spmem:s2] =	stream.indirect.scatter.add.bf16 [tilespmem:s22], [sflag:$0x3], $0x20, s30, s20, $0xb8;
	[tilespmem:$0x9800] =	vst v63  }
0x41: {  	_ =	swait.ge [sflag:s14], $0x1000  }
0x42: {  	[sflag:s14] =	ssyncset.done $0x0  }
0x43: {  	s31 =	simm.s32 $0x180;
	s30 =	simm.s32 $0x400;
	[sflag:s14] =	ssyncadd.s32 $0xFFFFF000  }
.LBB2_2:
0x44: {  	[tilespmem:s22], [sflag:$0x2] =	stream.indirect.gather [hbm4b:s4+s20], $0x20, s31, s20, $0xb8;
	[tilespmem:$0x9800] =	vst v63  }
0x45: {  	s31 =	smov.u32 s30  }
0x46: {  	p1 =	sne.s32 s30, $0x4800;
	s30 =	sadd.s32 $0x400, s30;
	_ =	swait.ge [sflag:s23], $0x1000  }
0x47: {  	s31 =	sshra.s32 s31, $0x2;
	[sflag:s23] =	ssyncset.done $0x0  }
0x48: {  	s0 =	sadd.s32 $0x1400, s31;
	[sflag:s23] =	ssyncadd.s32 $0xFFFFF000  }
0x49: {  	[spmem:s2] =	stream.indirect.scatter.add.bf16 [tilespmem:s21], [sflag:$0x3], $0x20, s0, s20, $0xb8;
	[tilespmem:$0x9800] =	vst v63  }
0x4a: {  	_ =	swait.ge [sflag:s14], $0x1000  }
0x4b: {  	[sflag:s14] =	ssyncset.done $0x0  }
0x4c: {  	s0 =	sadd.s32 $0x100, s31;
	[sflag:s14] =	ssyncadd.s32 $0xFFFFF000  }
0x4d: {  	[tilespmem:s21], [sflag:$0x1] =	stream.indirect.gather [hbm4b:s4+s20], $0x20, s0, s20, $0xb8;
	[tilespmem:$0x9800] =	vst v63  }
0x4e: {  	_ =	swait.ge [sflag:s24], $0x1000  }
0x4f: {  	[sflag:s24] =	ssyncset.done $0x0  }
.Ltmp0:
0x50: {  	s0 =	sadd.s32 $0x1480, s31;
	[sflag:s24] =	ssyncadd.s32 $0xFFFFF000;
	(pc) =	sbr.rel @p1 .LBB2_2-.Ltmp0, $4  }
0x51: {  	[spmem:s2] =	stream.indirect.scatter.add.bf16 [tilespmem:s22], [sflag:$0x3], $0x20, s0, s20, $0xb8;
	[tilespmem:$0x9800] =	vst v63  }
0x52: {  	_ =	swait.ge [sflag:s14], $0x1000  }
0x53: {  	[sflag:s14] =	ssyncset.done $0x0  }
0x54: {  	s31 =	sadd.s32 $0x180, s31;
	[sflag:s14] =	ssyncadd.s32 $0xFFFFF000  }
0x55: {  	[tilespmem:s22], [sflag:$0x2] =	stream.indirect.gather [hbm4b:s4+s20], $0x20, s31, s20, $0xb8;
	[tilespmem:$0x9800] =	vst v63  }
0x56: {  	_ =	swait.ge [sflag:s23], $0x1000  }
0x57: {  	[sflag:s23] =	ssyncset.done $0x0  }
0x58: {  	[sflag:s23] =	ssyncadd.s32 $0xFFFFF000  }
0x59: {  	[spmem:s2] =	stream.indirect.scatter.add.bf16 [tilespmem:s21], [sflag:$0x3], $0x20, s26, s20, $0xb8;
	[tilespmem:$0x9800] =	vst v63  }
0x5a: {  	_ =	swait.ge [sflag:s14], $0x1000  }
0x5b: {  	[sflag:s14] =	ssyncset.done $0x0  }
0x5c: {  	[sflag:s14] =	ssyncadd.s32 $0xFFFFF000  }
0x5d: {  	_ =	swait.ge [sflag:s24], $0x1000  }
0x5e: {  	[sflag:s24] =	ssyncset.done $0x0  }
0x5f: {  	[sflag:s24] =	ssyncadd.s32 $0xFFFFF000  }
0x60: {  	[spmem:s2] =	stream.indirect.scatter.add.bf16 [tilespmem:s22], [sflag:$0x3], $0x20, s28, s20, $0xb8;
	[tilespmem:$0x9800] =	vst v63  }
0x61: {  	_ =	swait.ge [sflag:s14], $0x1000  }
0x62: {  	[sflag:s14] =	ssyncset.done $0x0  }
0x63: {  	[sflag:s14] =	ssyncadd.s32 $0xFFFFF000  }
0x64: {  	s0 =	simm.s32 @p0 $0x3;
	[bflag:$0x0] =	sbarrier.arrive $0xFFFF  }
0x65: {  	[hbm:s11], [sflag:s7] =	dma.local @p0 [spmem:s25], $0x640  }
0x66: {  	_ =	swait.ge @p0 [sflag:s0], $0x640  }
0x67: {  	s29 =	sadd.s32 $0x1, s29;
	[sflag:s0] =	ssyncset.done @p0 $0x0  }
0x68: {  	p1 =	sne.s32 s29, s12;
	[sflag:s0] =	ssyncadd.s32 @p0 $0xFFFFF9C0;
	s0 =	sshrl.u32 @!p0 s6, $0x3  }
0x69: {  	[hbm:s10], [sflag:s7] =	dma.local @!p0 [spmem:s0], $0xA00  }
.Ltmp1:
0x6a: {  	_ = 	snop;
	(pc) =	sbr.rel @p1 .LBB2_1-.Ltmp1, $4  }
0x6b: {  	s0 =	simm.s32 @!p0 $0x3  }
0x6c: {  	_ =	swait.ge @!p0 [sflag:s0], $0xA00  }
0x6d: {  	[sflag:s0] =	ssyncset.done @!p0 $0x0  }
0x6e: {  	[sflag:s0] =	ssyncadd.s32 @!p0 $0xFFFFF600  }
0x6f: {  	_ =	sfence.sel $0x180000  }
0x70: {  	[bflag:$0x0] =	sbarrier.arrive $0xFFFF  }
0x71: {  	_ =	strace $0x9000004D  }
0x72: {  	[bflag:$0x2] =	sbarrier.arrive $0xFFFF  }
0x73: {  	p0 =	sne.s32 s1, $0x0;
	s0 =	rddreg [dreg:$0x2]  }
0x74: {  	s0 =	sadd.s32 @!p0 $0x100000, s0  }
0x75: {  	[sflag:s0] =	ssyncadd.tile.s32 @!p0 $0x1;
	_ =	shalt  }
.Lfunc_end2:
_tile_overlayer_lowered:
.L_overlay_start_2:
0x76: {  	(tag) =	ssettag $0x2  }
0x77: {  	s0 =	rddreg [dreg:$0x0];
	s2 =	stileid.u32  }
0x78: {  	s1 =	rddreg [dreg:$0x1];
	p0 =	sne.s32 s2, $0x0  }
0x79: {  	s3 =	rddreg [dreg:$0x2];
	[bflag:$0x3] =	sbarrier.arrive $0xFFFF;
	s2 =	simm.s32 @!p0 $0x1C03  }
0x7a: {  	[timem:s3], [sflag:s2] =	dma.local @!p0 [hbm:s0], s1  }
0x7b: {  	s0 =	simm.s32 @!p0 $0x3  }
0x7c: {  	_ =	swait.ge @!p0 [sflag:s0], s1  }
0x7d: {  	s1 =	ssub.s32 @!p0 $0x0, s1;
	[sflag:s0] =	ssyncset.done @!p0 $0x0  }
0x7e: {  	[sflag:s0] =	ssyncadd.s32 @!p0 s1  }
0x7f: {  	[bflag:$0x3] =	sbarrier.arrive $0xFFFF  }
0x80: {  	_ =	shalt  }

// kernel: kernel.9.cloned.1.call-start
scs
__scs_entry_jumppad:
0x0: {  	(pc) =	sbr.rel $0x88, $3  }
0x1: {  	(tag) =	ssettag $0x0;
	lr =	simm.s32 $0x1  }
0x2: {  	[smem:$0x3F96] =	sst lr;
	_ =	strace $0xD0000000  }
0x3: {  	_ = 	snop  }
0x4: {  	_ = 	snop  }
0x5: {  	_ = 	snop  }
0x6: {  	_ = 	snop  }
0x7: {  	_ = 	snop  }
__scs_overlays_trampoline_lowered:
0x8: {  	[smem:$0x3FA5] =	sst s0  }
0x9: {  	[smem:$0x3FA6] =	sst s1  }
0xa: {  	[smem:$0x3FA7] =	sst s2  }
0xb: {  	[smem:$0x3FA8] =	sst s3  }
0xc: {  	[smem:$0x3FA9] =	sst s4  }
0xd: {  	[smem:$0x3FAA] =	sst s5  }
0xe: {  	[smem:$0x3FAB] =	sst s6  }
0xf: {  	[smem:$0x3FAC] =	sst s7  }
0x10: {  	[smem:$0x3FAD] =	sst s8  }
0x11: {  	[smem:$0x3FAE] =	sst s9;
	s0 =	simm.s32 @!p0 $0x0  }
0x12: {  	s1 =	sld [smem:$0x3F94];
	s0 =	simm.s32 @p0 $0x1  }
0x13: {  	[smem:$0x3FAF] =	sst s0;
	s0 =	simm.s32 @!p1 $0x0  }
0x14: {  	s2 =	sld [smem:$0x3F93];
	s0 =	simm.s32 @p1 $0x1  }
0x15: {  	[smem:$0x3FB0] =	sst s0;
	s0 =	simm.s32 @!p2 $0x0  }
0x16: {  	s3 =	sld [smem:$0x3FDB];
	s0 =	simm.s32 @p2 $0x1  }
0x17: {  	s4 =	simm.s32 $0x1BF5;
	[smem:$0x3FB2] =	sst s0  }
0x18: {  	s0 =	sld [smem:$0x3F95];
	_ =	swait.ge [sflag:s4], $0x0  }
0x19: {  	s7 =	sld [smem:$0x3F96]  }
0x1a: {  	s8 =	sadd.s32 $0xFFFFE003, lr  }
0x1b: {  	s9 =	sadd.s32 $0xFFFFFEF7, lr;
	s5 =	simm.s32 $0xFFFFFFFF;
	p2 =	slt.u32 s8, $0xFFFFF086  }
0x1c: {  	p1 =	slt.u32 s9, $0xF7A;
	s5 =	simm.s32 @!p2 $0x0  }
0x1d: {  	s5 =	simm.s32 @p1 $0x1;
	p0 =	seq.s32 s7, s2  }
0x1e: {  	s7 =	smul.u32 @!p0 $0xF7A, s2;
	p2 =	seq.s32 @!p0 s5, $0x0  }
0x1f: {  	s9 =	smul.u32 $0xF7A, s1;
	s8 =	simm.s32 @!p0 $0x1BF5;
	p2 =	por !p2, p0  }
0x20: {  	[sflag:s8] =	ssyncset.s32 @!p0 $0xFFFFF086;
	s6 =	sadd.s32 @!p0 s3, s7;
	s7 =	simm.s32 @!p0 $0x108  }
0x21: {  	s3 =	sadd.s32 s3, s9;
	s6 =	sadd.s32 @!p0 $0x88, s6;
	s7 =	simm.s32 @p2 $0x1082  }
0x22: {  	[simem:s7], [sflag:s8] =	dma.local @!p0 [hbm:s6], $0xF7A  }
0x23: {  	s9 =	sor.u32 $0xD0000000, s2;
	s6 =	simm.s32 $0x108;
	_ =	swait.ge @!p0 [sflag:s8], $0x0  }
0x24: {  	s3 =	sadd.s32 $0x88, s3;
	s6 =	simm.s32 @!p1 $0x1082;
	[sflag:s4] =	ssyncset.s32 $0xFFFFF086  }
0x25: {  	[simem:s6], [sflag:s4] =	dma.local [hbm:s3], $0xF7A  }
0x26: {  	[smem:$0x3F96] =	sst s1;
	(tag) =	ssettag s2;
	_ =	strace s9  }
0x27: {  	s1 =	sld [smem:$0x3FA6]  }
0x28: {  	s2 =	sld [smem:$0x3FA7]  }
0x29: {  	s4 =	sld [smem:$0x3FA9]  }
0x2a: {  	p0 =	seq.s32 s5, $0x0;
	s5 =	sld [smem:$0x3FAA]  }
0x2b: {  	s6 =	sld [smem:$0x3FAB]  }
0x2c: {  	s7 =	sld [smem:$0x3FAC]  }
0x2d: {  	s3 =	simm.s32 $0x108;
	s8 =	sld [smem:$0x3FAD]  }
0x2e: {  	s3 =	simm.s32 @!p0 $0x1082;
	s9 =	sld [smem:$0x3FAE]  }
0x2f: {  	lr =	sadd.s32 s0, s3;
	s0 =	sld [smem:$0x3FA5]  }
0x30: {  	s3 =	sld [smem:$0x3FA8]  }
0x31: {  	[smem:$0x3FB1] =	sst s10  }
0x32: {  	s10 =	sld [smem:$0x3FAF];
	_ =	sdelay $0x3  }
0x33: {  	p0 =	seq.s32 s10, $0x1;
	s10 =	sld [smem:$0x3FB1];
	_ =	sdelay $0x3  }
0x34: {  	[smem:$0x3FB1] =	sst s10  }
0x35: {  	s10 =	sld [smem:$0x3FB0];
	_ =	sdelay $0x3  }
0x36: {  	p1 =	seq.s32 s10, $0x1;
	s10 =	sld [smem:$0x3FB1];
	_ =	sdelay $0x3  }
0x37: {  	[smem:$0x3FB1] =	sst s10  }
0x38: {  	s10 =	sld [smem:$0x3FB2]  }
0x39: {  	_ = 	snop;
	(pc) =	sbr.ind lr, $3  }
0x3a: {  	_ = 	snop  }
0x3b: {  	_ = 	snop  }
0x3c: {  	p2 =	seq.s32 s10, $0x1;
	s10 =	sld [smem:$0x3FB1]  }
0x3d: {  	_ =	shalt  }
0x3e: {  	_ =	shalt  }
0x3f: {  	_ =	shalt  }
0x40: {  	_ =	shalt  }
0x41: {  	_ =	shalt  }
0x42: {  	_ =	shalt  }
0x43: {  	_ =	shalt  }
0x44: {  	_ =	shalt  }
0x45: {  	_ =	shalt  }
0x46: {  	_ =	shalt  }
0x47: {  	_ =	shalt  }
0x48: {  	_ =	shalt  }
0x49: {  	_ =	shalt  }
0x4a: {  	_ =	shalt  }
0x4b: {  	_ =	shalt  }
0x4c: {  	_ =	shalt  }
0x4d: {  	_ =	shalt  }
0x4e: {  	_ =	shalt  }
0x4f: {  	_ =	shalt  }
0x50: {  	_ =	shalt  }
0x51: {  	_ =	shalt  }
0x52: {  	_ =	shalt  }
0x53: {  	_ =	shalt  }
0x54: {  	_ =	shalt  }
0x55: {  	_ =	shalt  }
0x56: {  	_ =	shalt  }
0x57: {  	_ =	shalt  }
0x58: {  	_ =	shalt  }
0x59: {  	_ =	shalt  }
0x5a: {  	_ =	shalt  }
0x5b: {  	_ =	shalt  }
0x5c: {  	_ =	shalt  }
0x5d: {  	_ =	shalt  }
0x5e: {  	_ =	shalt  }
0x5f: {  	_ =	shalt  }
0x60: {  	_ =	shalt  }
0x61: {  	_ =	shalt  }
0x62: {  	_ =	shalt  }
0x63: {  	_ =	shalt  }
0x64: {  	_ =	shalt  }
0x65: {  	_ =	shalt  }
0x66: {  	_ =	shalt  }
0x67: {  	_ =	shalt  }
0x68: {  	_ =	shalt  }
0x69: {  	_ =	shalt  }
0x6a: {  	_ =	shalt  }
0x6b: {  	_ =	shalt  }
0x6c: {  	_ =	shalt  }
0x6d: {  	_ =	shalt  }
0x6e: {  	_ =	shalt  }
0x6f: {  	_ =	shalt  }
0x70: {  	_ =	shalt  }
0x71: {  	_ =	shalt  }
0x72: {  	_ =	shalt  }
0x73: {  	_ =	shalt  }
0x74: {  	_ =	shalt  }
0x75: {  	_ =	shalt  }
0x76: {  	_ =	shalt  }
0x77: {  	_ =	shalt  }
0x78: {  	_ =	shalt  }
0x79: {  	_ =	shalt  }
0x7a: {  	_ =	shalt  }
0x7b: {  	_ =	shalt  }
0x7c: {  	_ =	shalt  }
0x7d: {  	_ =	shalt  }
0x7e: {  	_ =	shalt  }
0x7f: {  	_ =	shalt  }
0x80: {  	_ =	shalt  }
0x81: {  	_ =	shalt  }
0x82: {  	_ =	shalt  }
0x83: {  	_ =	shalt  }
0x84: {  	_ =	shalt  }
0x85: {  	_ =	shalt  }
0x86: {  	_ =	shalt  }
0x87: {  	_ =	shalt  }
.Lfunc_end0:
.L_simem_size_0:
called_computation_lowered:
.L_overlay_start_0:
0x88: {  	s2 =	sld [smem:$0x3FD9]  }
0x89: {  	s3 =	sld [smem:$0x3FFE];
	_ =	sdelay $0x1  }
0x8a: {  	s1 =	srdreg.scid  }
0x8b: {  	s0 =	sand.u32 $0x1, s1  }
0x8c: {  	s17 =	sshll.u32 s0, $0xA;
	s2 =	sadd.s32 s3, s2  }
0x8d: {  	s2 =	sadd.s32 s2, s17  }
0x8e: {  	[smem:$0x3FBD] =	sst s2  }
0x8f: {  	_ = 	snop  }
0x90: {  	s2 =	sld [smem:$0x3FD0];
	(tm) =	ssettm $0x1  }
0x91: {  	s18 =	sld [smem:$0x3FFB];
	_ =	sdelay $0x3  }
0x92: {  	_ =	strace s18  }
0x93: {  	s3 =	sld [smem:$0x3FFC];
	_ =	sdelay $0x3  }
0x94: {  	_ =	strace s3  }
0x95: {  	s3 =	sld [smem:$0x3FFD];
	_ =	sdelay $0x3  }
0x96: {  	_ =	strace s3  }
0x97: {  	_ =	strace $0x8FFFFFFF  }
0x98: {  	s19 =	sld [smem:$0x3FDB];
	_ =	sdelay $0x1  }
0x99: {  	s4 =	simm.s32 $_scs_section_size  }
0x9a: {  	s5 =	simm.s32 $_size__tile_overlayer_lowered;
	s6 =	simm.s32 $_tile_overlayer_lowered  }
0x9b: {  	s22 =	simm.s32 $0x1BFF;
	s21 =	sshll.u32 s6, $0x1;
	s3 =	sadd.s32 s4, s19  }
0x9c: {  	s7 =	simm.s32 $0x0;
	s20 =	sshll.u32 s5, $0x1;
	s5 =	sadd.s32 s21, s3  }
0x9d: {  	[timem:s7], [sflag:s22] =	dma.local [hbm:s5], s20  }
0x9e: {  	_ =	swait.ge [sflag:s22], s20  }
0x9f: {  	s4 =	ssub.s32 $0x0, s20;
	[sflag:s22] =	ssyncset.done $0x0  }
0xa0: {  	[sflag:s22] =	ssyncadd.s32 s4;
	_ =	sdelay $0x1  }
0xa1: {  	s23 =	simm.s32 $0x1B8B  }
0xa2: {  	_ =	swait.ge [sflag:s23], $0x1  }
0xa3: {  	[sflag:s23] =	ssyncset.done $0x0  }
0xa4: {  	s25 =	simm.s32 $0x1B8E;
	s24 =	sld [smem:$0x3FFE];
	[sflag:s23] =	ssyncadd.s32 $0xFFFFFFFF  }
0xa5: {  	s26 =	simm.s32 $execute0_lowered;
	[smem:$0x3FD2] =	sst s25  }
0xa6: {  	s5 =	sshll.u32 s26, $0x1;
	_ =	strace $0x80000046;
	[dreg:$0x1] =	wrdreg $0xFFFFFFFF  }
0xa7: {  	s28 =	simm.s32 $_size_execute0_lowered;
	s3 =	sadd.s32 s3, s5;
	[dreg:$0x0] =	wrdreg $0x0  }
0xa8: {  	s5 =	sshll.u32 s28, $0x1;
	[dreg:$0x2] =	wrdreg s3  }
0xa9: {  	[dreg:$0x3] =	wrdreg s5  }
0xaa: {  	[dreg:$0x4] =	wrdreg $0xC0  }
0xab: {  	_ =	task [dreg:s7], $0x5FFFF  }
0xac: {  	[dreg:$0x1] =	wrdreg $0xFFFFFFFF  }
0xad: {  	[dreg:$0x0] =	wrdreg $0x60  }
0xae: {  	[dreg:$0x2] =	wrdreg s24  }
0xaf: {  	[dreg:$0x3] =	wrdreg s2  }
0xb0: {  	[dreg:$0x4] =	wrdreg $0x1C000  }
0xb1: {  	[dreg:$0x5] =	wrdreg $0x9  }
0xb2: {  	_ =	task.clear_ibuf [dreg:s7], $0x6FFFF;
	_ =	strace $0x90000046  }
0xb3: {  	s29 =	simm.s32 $0x9;
	_ =	strace $0x80000048  }
0xb4: {  	_ =	swait.ge [sflag:s29], $0x1  }
0xb5: {  	[sflag:s29] =	ssyncadd.s32 $0xFFFFFFFF  }
0xb6: {  	_ =	strace $0x90000048  }
0xb7: {  	_ =	sfence  }
0xb8: {  	s30 =	sld [smem:$0x0];
	_ =	sdelay $0x2  }
0xb9: {  	s31 =	sshll.u32 s1, $0xD;
	s1 =	sshrl.u32 s1, $0x2  }
0xba: {  	s3 =	sand.u32 $0x4000, s31;
	s1 =	sadd.s32 s1, s30  }
0xbb: {  	s0 =	sor.u32 s3, s0;
	s1 =	sshll.u32 s1, $0x11  }
0xbc: {  	s0 =	sor.u32 s1, s0  }
0xbd: {  	s0 =	sadd.s32 $0x8F2B, s0  }
0xbe: {  	[sflag:s0] =	ssyncadd.remote.s32 $0x1  }
0xbf: {  	_ =	sfence.sel $0xFFFF  }
0xc0: {  	[dreg:$0x0] =	wrdreg $0xFFFFFFFF;
	(pc) =	sbr.abs _section_cstart, $3  }
0xc1: {  	[dreg:$0x1] =	wrdreg $0xFFFFFFFF  }
0xc2: {  	_ =	task.clear_ibuf [dreg:s7], $0x2FFFF;
	_ =	strace $0x9FFFFFFF  }
0xc3: {  	(tm) =	ssettm $0x7FFFFFFF  }
tec
execute0_lowered:
.L_overlay_start_1:
0x0: {  	(tag) =	ssettag $0x1  }
0x1: {  	s7 =	rddreg [dreg:$0x0]  }
0x2: {  	s0 =	srdreg.scid;
	s2 =	rddreg [dreg:$0x1]  }
0x3: {  	s3 =	rddreg [dreg:$0x2];
	s4 =	simm.s32 $0x0;
	s14 =	simm.s32 $0x1800  }
0x4: {  	s15 =	simm.s32 $0x1;
	s6 =	sand.u32 $0x1, s0;
	s0 =	stileid.u32  }
0x5: {  	s16 =	simm.s32 $0x1400;
	s17 =	simm.s32 $0x80;
	s8 =	smul.u32 $0x1400, s0  }
0x6: {  	s20 =	simm.s32 $0x0;
	[smem:$0x7FF] =	sst s4;
	s9 =	smul.u32 $0x14000, s6  }
0x7: {  	s1 =	sshll.u32 s6, $0x4;
	s10 =	smul.u32 $0x5000, s0;
	s6 =	ssub.s32 $0x2, s6  }
0x8: {  	s18 =	sshll.u32 s0, $0x6;
	s1 =	sor.u32 s0, s1;
	s30 =	sshrl.u32 s6, $0x1  }
0x9: {  	s18 =	sor.u32 $0x1C01, s18;
	s5 =	smul.u32 $0x280, s1;
	s1 =	rddreg [dreg:$0x3]  }
0xa: {  	_ =	strace $0x80000047;
	s9 =	sadd.s32 s8, s9;
	s31 =	sshrl.u32 s10, $0x2  }
0xb: {  	s13 =	ssub.s32 s6, s30;
	s6 =	sadd.s32 s8, s3;
	s9 =	sshrl.u32 s9, $0x3  }
0xc: {  	s10 =	sadd.s32 s31, s3;
	s13 =	smax.u32 s13, $0x1;
	s19 =	sshrl.u32 s6, $0x3  }
0xd: {  	s11 =	sadd.s32 s5, s7;
	s5 =	sadd.s32 $0x8A00, s7;
	s12 =	sadd.s32 s9, s7  }
0xe: {  	s7 =	sadd.s32 $0x400, s10;
	s8 =	sadd.s32 $0x800, s10;
	s9 =	sadd.s32 $0xC00, s10  }
0xf: {  	s10 =	sadd.s32 $0x1000, s10;
	s11 =	sadd.s32 $0x3A00, s11;
	s12 =	sadd.s32 $0x8C00, s12  }
.LBB2_1:
0x10: {  	[tilespmem:s14], [sflag:$0x1] =	stream.linear.gather [hbm4b:s5+s4], $0x400, $0x38;
	[tilespmem:$0x3000] =	vst v63  }
0x11: {  	_ =	swait.ge [sflag:s15], $0x400  }
0x12: {  	[sflag:s15] =	ssyncset.done $0x0  }
0x13: {  	[sflag:s15] =	ssyncadd.s32 $0xFFFFFC00  }
0x14: {  	[spmem:s6] =	stream.linear.scatter [tilespmem:s14], [sflag:$0x1], $0x400, $0x38;
	[tilespmem:$0x3000] =	vst v63  }
0x15: {  	_ =	swait.ge [sflag:s15], $0x400  }
0x16: {  	[sflag:s15] =	ssyncset.done $0x0  }
0x17: {  	[sflag:s15] =	ssyncadd.s32 $0xFFFFFC00  }
0x18: {  	[spmem:s7] =	stream.linear.scatter [tilespmem:s14], [sflag:$0x1], $0x400, $0x38;
	[tilespmem:$0x3000] =	vst v63  }
0x19: {  	_ =	swait.ge [sflag:s15], $0x400  }
0x1a: {  	[sflag:s15] =	ssyncset.done $0x0  }
0x1b: {  	[sflag:s15] =	ssyncadd.s32 $0xFFFFFC00  }
0x1c: {  	[spmem:s8] =	stream.linear.scatter [tilespmem:s14], [sflag:$0x1], $0x400, $0x38;
	[tilespmem:$0x3000] =	vst v63  }
0x1d: {  	_ =	swait.ge [sflag:s15], $0x400  }
0x1e: {  	[sflag:s15] =	ssyncset.done $0x0  }
0x1f: {  	[sflag:s15] =	ssyncadd.s32 $0xFFFFFC00  }
0x20: {  	[spmem:s9] =	stream.linear.scatter [tilespmem:s14], [sflag:$0x1], $0x400, $0x38;
	[tilespmem:$0x3000] =	vst v63  }
0x21: {  	_ =	swait.ge [sflag:s15], $0x400  }
0x22: {  	[sflag:s15] =	ssyncset.done $0x0  }
0x23: {  	[sflag:s15] =	ssyncadd.s32 $0xFFFFFC00  }
0x24: {  	[spmem:s10] =	stream.linear.scatter [tilespmem:s14], [sflag:$0x1], $0x400, $0x38;
	[tilespmem:$0x3000] =	vst v63  }
0x25: {  	_ =	swait.ge [sflag:s15], $0x400  }
0x26: {  	[sflag:s15] =	ssyncset.done $0x0  }
0x27: {  	[sflag:s15] =	ssyncadd.s32 $0xFFFFFC00  }
0x28: {  	[tilespmem:s16], [sflag:$0x1] =	stream.linear.gather [hbm4b:s2+s4], $0x400, $0x38;
	[tilespmem:$0x3000] =	vst v63  }
0x29: {  	_ =	swait.ge [sflag:s15], $0x400  }
0x2a: {  	[sflag:s15] =	ssyncset.done $0x0  }
0x2b: {  	[sflag:s15] =	ssyncadd.s32 $0xFFFFFC00  }
0x2c: {  	[tilespmem:s4], [sflag:$0x1] =	stream.linear.gather [hbm4b:s11+s4], $0x1400, $0x38;
	[tilespmem:$0x3000] =	vst v63  }
0x2d: {  	_ =	swait.ge [sflag:s15], $0x1400  }
0x2e: {  	[sflag:s15] =	ssyncset.done $0x0  }
0x2f: {  	[sflag:s15] =	ssyncadd.s32 $0xFFFFEC00  }
0x30: {  	s21 =	simm.s32 $0x0;
	[bflag:$0x0] =	sbarrier.arrive $0xFFFF  }
0x31: {  	[spmem:s3] =	stream.indirect.scatter.add.f32 [tilespmem:s16], [sflag:$0x1], $0x8, s21, s17, $0xb8;
	[tilespmem:$0x3000] =	vst v63  }
0x32: {  	_ =	swait.ge [sflag:s15], $0x400  }
0x33: {  	s21 =	simm.s32 $0x200;
	[sflag:s15] =	ssyncset.done $0x0  }
.LBB2_2:
0x34: {  	s22 =	sshra.s32 s21, $0x2;
	[sflag:s15] =	ssyncadd.s32 $0xFFFFFC00;
	p0 =	sne.s32 s21, $0x4E00  }
0x35: {  	[spmem:s3] =	stream.indirect.scatter.add.f32 [tilespmem:s16], [sflag:$0x1], $0x8, s22, s17, $0xb8;
	[tilespmem:$0x3000] =	vst v63  }
.Ltmp0:
0x36: {  	_ = 	snop;
	(pc) =	sbr.rel @p0 .LBB2_2-.Ltmp0, $4  }
0x37: {  	_ = 	snop  }
0x38: {  	s21 =	sadd.s32 $0x200, s21  }
0x39: {  	_ =	swait.ge [sflag:s15], $0x400  }
0x3a: {  	[sflag:s15] =	ssyncset.done $0x0  }
0x3b: {  	s20 =	sadd.s32 $0x1, s20  }
0x3c: {  	[sflag:s15] =	ssyncadd.s32 $0xFFFFFC00;
	p0 =	sne.s32 s20, s13  }
.Ltmp1:
0x3d: {  	[bflag:$0x0] =	sbarrier.arrive $0xFFFF;
	(pc) =	sbr.rel @p0 .LBB2_1-.Ltmp1, $4  }
0x3e: {  	[hbm:s12], [sflag:s18] =	dma.local [spmem:s19], $0x280  }
0x3f: {  	_ =	swait.ge [sflag:s15], $0x280  }
0x40: {  	[sflag:s15] =	ssyncset.done $0x0  }
0x41: {  	[sflag:s15] =	ssyncadd.s32 $0xFFFFFD80  }
0x42: {  	_ =	sfence.sel $0x180000  }
0x43: {  	[bflag:$0x0] =	sbarrier.arrive $0xFFFF  }
0x44: {  	p0 =	sne.s32 s0, $0x0;
	_ =	strace $0x90000047  }
0x45: {  	s0 =	sadd.s32 @!p0 $0x100000, s1;
	[bflag:$0x2] =	sbarrier.arrive $0xFFFF  }
0x46: {  	[sflag:s0] =	ssyncadd.tile.s32 @!p0 $0x1;
	_ =	shalt  }
.Lfunc_end2:
_tile_overlayer_lowered:
.L_overlay_start_2:
0x47: {  	(tag) =	ssettag $0x2  }
0x48: {  	s0 =	rddreg [dreg:$0x0];
	s2 =	stileid.u32  }
0x49: {  	s1 =	rddreg [dreg:$0x1];
	p0 =	sne.s32 s2, $0x0  }
0x4a: {  	s3 =	rddreg [dreg:$0x2];
	[bflag:$0x3] =	sbarrier.arrive $0xFFFF;
	s2 =	simm.s32 @!p0 $0x1C01  }
0x4b: {  	[timem:s3], [sflag:s2] =	dma.local @!p0 [hbm:s0], s1  }
0x4c: {  	s0 =	simm.s32 @!p0 $0x1  }
0x4d: {  	_ =	swait.ge @!p0 [sflag:s0], s1  }
0x4e: {  	s1 =	ssub.s32 @!p0 $0x0, s1;
	[sflag:s0] =	ssyncset.done @!p0 $0x0  }
0x4f: {  	[sflag:s0] =	ssyncadd.s32 @!p0 s1  }
0x50: {  	[bflag:$0x3] =	sbarrier.arrive $0xFFFF  }
0x51: {  	_ =	shalt  }

</sc_bundles>
